<compile_context>
chip_gen: v7x
topology: tpu7x:2x2x1
jax: 0.10.2.dev20260603
libtpu: 0.0.44.dev20260713+nightly
codegen_flags: <defaults>
</compile_context>

<pallas_src>
import functools

import jax
import jax.numpy as jnp
from jax import lax
from jax.experimental import pallas as pl
from jax.experimental.pallas import tpu as pltpu
from jax.experimental.pallas import tpu_sc as plsc

NUM_CLASSES = 1000000
HIDDEN_SIZE = 32
DROPOUT_PROB = 0.1

BATCH = 16384
NUM_CORES = 2
NUM_SUBCORES = 16
NUM_WORKERS = NUM_CORES * NUM_SUBCORES
ROWS_PER_WORKER = BATCH // NUM_WORKERS
LANES = 16
NBUF = 16


def _sc_gather(labels, table_t):
    mesh = plsc.VectorSubcoreMesh(core_axis_name="c", subcore_axis_name="s")

    @functools.partial(
        pl.kernel,
        mesh=mesh,
        out_type=jax.ShapeDtypeStruct((BATCH * HIDDEN_SIZE,), jnp.float32),
        compiler_params=pltpu.CompilerParams(
            use_tc_tiling_on_sc=True, needs_layout_passes=False
        ),
        scratch_types=[
            pltpu.VMEM((ROWS_PER_WORKER,), jnp.int32),
            pltpu.VMEM((NBUF, HIDDEN_SIZE, 128), jnp.float32),
            pltpu.VMEM((ROWS_PER_WORKER * HIDDEN_SIZE,), jnp.float32),
            pltpu.SemaphoreType.DMA,
        ],
    )
    def k(labels_hbm, table_hbm, out_hbm, idx_v, stage_v, out_v, sem):
        wid = lax.axis_index("s") * NUM_CORES + lax.axis_index("c")
        base = wid * ROWS_PER_WORKER
        pltpu.sync_copy(labels_hbm.at[pl.ds(base, ROWS_PER_WORKER)], idx_v)
        jlo = lax.iota(jnp.int32, LANES)
        jhi = jlo + LANES

        def body(step, carry):
            r0 = step * NBUF
            v = idx_v[pl.ds(r0, NBUF)]
            copies = []
            for u in range(NBUF):
                t = (v[u] // 128) * 128
                copies.append(
                    pltpu.async_copy(
                        table_hbm.at[:, pl.ds(t, 128)],
                        stage_v.at[u],
                        sem,
                    )
                )
            for u in range(NBUF):
                copies[u].wait()
                l = v[u] - (v[u] // 128) * 128
                lane = jnp.full((LANES,), l, jnp.int32)
                row0 = plsc.load_gather(stage_v.at[u], [jlo, lane])
                row1 = plsc.load_gather(stage_v.at[u], [jhi, lane])
                o = (r0 + u) * HIDDEN_SIZE
                out_v[pl.ds(o, LANES)] = row0
                out_v[pl.ds(o + LANES, LANES)] = row1
            return carry

        lax.fori_loop(0, ROWS_PER_WORKER // NBUF, body, 0, unroll=False)
        pltpu.sync_copy(
            out_v,
            out_hbm.at[pl.ds(base * HIDDEN_SIZE, ROWS_PER_WORKER * HIDDEN_SIZE)],
        )

    return k(labels, table_t)


def kernel(labels, train, embed_table):
    if DROPOUT_PROB > 0:
        drop_key = jax.random.key(1)
        drop_ids = jax.random.uniform(drop_key, (labels.shape[0],)) < DROPOUT_PROB
        train_on = jnp.asarray(train) != 0
        labels = jnp.where(jnp.logical_and(train_on, drop_ids), NUM_CLASSES, labels)
    flat = _sc_gather(labels.astype(jnp.int32), embed_table.T)
    return flat.reshape(BATCH, HIDDEN_SIZE)

# --- scband reference (transcript-rebuilt; emitter-appended) ---
"""Pipeline reference for scband-class-embedding-6210522710244 (READ-ONLY COPY).

The authoritative reference and input builder live on the scoring server;
editing this copy changes nothing except your own understanding.
"""

import jax, jax.numpy as jnp
import numpy as np

NUM_CLASSES = 1000000
HIDDEN_SIZE = 32
DROPOUT_PROB = 0.1


def setup_inputs(seed: int = 0) -> dict:
    key = jax.random.key(seed)
    k1, k2 = jax.random.split(key)
    labels = jax.random.randint(k1, (16384,), 0, NUM_CLASSES, dtype=jnp.int64 if jax.config.jax_enable_x64 else jnp.int32)
    # embed_table has num_classes + 1 rows (extra CFG null-class row since dropout_prob > 0)
    embed_table = jax.random.normal(k2, (NUM_CLASSES + 1, HIDDEN_SIZE), dtype=jnp.float32) * 0.02
    train = 0  # eval mode -> deterministic, no token dropout
    return {"labels": labels, "train": train, "embed_table": embed_table}


def reference(labels, train, embed_table):
    # Faithful translation of ClassEmbedding.forward with force_drop_ids=None.
    if DROPOUT_PROB > 0:
        drop_key = jax.random.key(1)
        drop_ids = jax.random.uniform(drop_key, (labels.shape[0],)) < DROPOUT_PROB
        train_on = (jnp.asarray(train) != 0)
        labels = jnp.where(jnp.logical_and(train_on, drop_ids), NUM_CLASSES, labels)
    embeds = jnp.take(embed_table, labels, axis=0)
    return embeds

if __name__ == "__main__":
    import jax
    _d = setup_inputs()
    print(jax.jit(kernel)(*tuple(_d.values())))

</pallas_src>

<mosaic_0001>
#map = affine_map<(d0, d1) -> (0)>
#map1 = affine_map<(d0, d1) -> (0, 0)>
module attributes {stable_mosaic.version = 14 : i64} {
  func.func @k(%arg0: i32, %arg1: i32, %arg2: memref<16384xi32, #tpu.memory_space<hbm>>, %arg3: memref<32x1000001xf32, #tpu.memory_space<hbm>>, %arg4: memref<524288xf32, #tpu.memory_space<hbm>>, %arg5: memref<512xi32, #tpu.memory_space<vmem>>, %arg6: memref<16x32x128xf32, #tpu.memory_space<vmem>>, %arg7: memref<16384xf32, #tpu.memory_space<vmem>>, %arg8: memref<!tpu.dma_semaphore, #tpu.memory_space<semaphore_mem>>) attributes {dimension_semantics = [#tpu.dimension_semantics<core_parallel>, #tpu.dimension_semantics<subcore_parallel>], iteration_bounds = array<i64: 2, 16>, scalar_prefetch = 0 : i64, scratch_operands = 4 : i64, tpu.core_type = #tpu.core_type<sc_vector_subcore>, window_params = [{transform_indices = #map}, {transform_indices = #map1}, {transform_indices = #map}]} {
    %mul3A = arith.constant 2 : i32
    %mul3A_0 = arith.muli %arg1, %mul3A : i32
    %add3A = arith.addi %mul3A_0, %arg0 : i32
    %mul3A_1 = arith.constant 512 : i32
    %mul3A_2 = arith.muli %add3A, %mul3A_1 : i32
    "tpu.region"() ({
      %run_scoped3A = tpu.sem_alloc : memref<!tpu.dma_semaphore, #tpu.memory_space<semaphore_mem>>
      %dma_start3A = tpu.memref_slice %arg2[%mul3A_2] : memref<16384xi32, #tpu.memory_space<hbm>> -> memref<512xi32, #tpu.memory_space<hbm>>
      %dma_start3A_13 = tpu.memref_slice %arg2[%mul3A_2] : memref<16384xi32, #tpu.memory_space<hbm>> -> memref<512xi32, #tpu.memory_space<hbm>>
      tpu.enqueue_dma source(%dma_start3A_13 : memref<512xi32, #tpu.memory_space<hbm>>) target(%arg5 : memref<512xi32, #tpu.memory_space<vmem>>) target_semaphore(%run_scoped3A : memref<!tpu.dma_semaphore, #tpu.memory_space<semaphore_mem>>)
      %dma_wait3A = tpu.memref_slice %arg2[%mul3A_2] : memref<16384xi32, #tpu.memory_space<hbm>> -> memref<512xi32, #tpu.memory_space<hbm>>
      %dma_wait3A_14 = tpu.memref_slice %arg2[%mul3A_2] : memref<16384xi32, #tpu.memory_space<hbm>> -> memref<512xi32, #tpu.memory_space<hbm>>
      tpu.wait_dma2 semaphore(%run_scoped3A : memref<!tpu.dma_semaphore, #tpu.memory_space<semaphore_mem>>) src(%dma_wait3A_14 : memref<512xi32, #tpu.memory_space<hbm>>) dst(%arg5 : memref<512xi32, #tpu.memory_space<vmem>>)
      tpu.yield
    }) : () -> ()
    %iota3A = tpu.iota {dimensions = array<i32: 0>} : vector<16xi32>
    %add3A_3 = arith.constant 16 : i32
    %add3A_4 = vector.broadcast %add3A_3 : i32 to vector<16xi32>
    %add3A_5 = arith.addi %iota3A, %add3A_4 : vector<16xi32>
    %scan3A = arith.constant 0 : i32
    %scan3A_6 = arith.constant 0 : i32
    %scan3A_7 = arith.constant 32 : i32
    %scan3A_8 = arith.addi %scan3A_6, %scan3A_7 : i32
    %scan3A_9 = arith.constant 1 : i32
    scf.for %scan3A_13 = %scan3A_6 to %scan3A_8 step %scan3A_9  : i32 {
      %mul3A_14 = arith.constant 16 : i32
      %mul3A_15 = arith.muli %scan3A_13, %mul3A_14 : i32
      %get3A = arith.index_cast %mul3A_15 : i32 to index
      %get3A_16 = tpu.vector_load %arg5[%get3A] {strides = array<i32>} : memref<512xi32, #tpu.memory_space<vmem>>, vector<16xi32>,
      %slice3A = vector.extract_strided_slice %get3A_16 {offsets = [0], sizes = [1], strides = [1]} : vector<16xi32> to vector<1xi32>
      %squeeze3A = vector.extract %slice3A[0] : i32 from vector<1xi32>
      %jit3A = arith.constant 128 : i32
      %div3A = arith.divsi %squeeze3A, %jit3A : i32
      %sign3A = arith.constant 0 : i32
      %sign3A_17 = arith.cmpi sgt, %squeeze3A, %sign3A : i32
      %sign3A_18 = arith.extui %sign3A_17 : i1 to i32
      %sign3A_19 = arith.constant 0 : i32
      %sign3A_20 = arith.cmpi slt, %squeeze3A, %sign3A_19 : i32
      %sign3A_21 = arith.extui %sign3A_20 : i1 to i32
      %sign3A_22 = arith.subi %sign3A_18, %sign3A_21 : i32
      %sign3A_23 = arith.constant 0 : i32
      %sign3A_24 = arith.cmpi sgt, %jit3A, %sign3A_23 : i32
      %sign3A_25 = arith.extui %sign3A_24 : i1 to i32
      %sign3A_26 = arith.constant 0 : i32
      %sign3A_27 = arith.cmpi slt, %jit3A, %sign3A_26 : i32
      %sign3A_28 = arith.extui %sign3A_27 : i1 to i32
      %sign3A_29 = arith.subi %sign3A_25, %sign3A_28 : i32
      %ne3A = arith.cmpi ne, %sign3A_22, %sign3A_29 : i32
      %rem3A = arith.remsi %squeeze3A, %jit3A : i32
      %ne3A_30 = arith.constant 0 : i32
      %ne3A_31 = arith.cmpi ne, %rem3A, %ne3A_30 : i32
      %and3A = arith.andi %ne3A, %ne3A_31 : i1
      %sub3A = arith.constant 1 : i32
      %sub3A_32 = arith.subi %div3A, %sub3A : i32
      %select_n3A = arith.select %and3A, %sub3A_32, %div3A : i32
      %mul3A_33 = arith.constant 128 : i32
      %mul3A_34 = arith.muli %select_n3A, %mul3A_33 : i32
      %dma_start3A = arith.constant 0 : i32
      %dma_start3A_35 = arith.constant 0 : i32
      %dma_start3A_36 = arith.constant 0 : i32
      %dma_start3A_37 = tpu.memref_slice %arg6[%dma_start3A, %dma_start3A_35, %dma_start3A_36] : memref<16x32x128xf32, #tpu.memory_space<vmem>> -> memref<1x32x128xf32, #tpu.memory_space<vmem>>
      %dma_start3A_38 = tpu.memref_squeeze %dma_start3A_37 : memref<1x32x128xf32, #tpu.memory_space<vmem>> -> memref<32x128xf32, #tpu.memory_space<vmem>>
      %dma_start3A_39 = arith.constant 0 : i32
      %dma_start3A_40 = tpu.memref_slice %arg3[%dma_start3A_39, %mul3A_34] : memref<32x1000001xf32, #tpu.memory_space<hbm>> -> memref<32x128xf32, #tpu.memory_space<hbm>>
      %dma_start3A_41 = arith.constant 0 : i32
      %dma_start3A_42 = arith.constant 0 : i32
      %dma_start3A_43 = tpu.memref_slice %arg6[%dma_start3A, %dma_start3A_41, %dma_start3A_42] : memref<16x32x128xf32, #tpu.memory_space<vmem>> -> memref<1x32x128xf32, #tpu.memory_space<vmem>>
      %dma_start3A_44 = tpu.memref_squeeze %dma_start3A_43 : memref<1x32x128xf32, #tpu.memory_space<vmem>> -> memref<32x128xf32, #tpu.memory_space<vmem>>
      %dma_start3A_45 = arith.constant 0 : i32
      %dma_start3A_46 = tpu.memref_slice %arg3[%dma_start3A_45, %mul3A_34] : memref<32x1000001xf32, #tpu.memory_space<hbm>> -> memref<32x128xf32, #tpu.memory_space<hbm>>
      tpu.enqueue_dma source(%dma_start3A_46 : memref<32x128xf32, #tpu.memory_space<hbm>>) target(%dma_start3A_44 : memref<32x128xf32, #tpu.memory_space<vmem>>) target_semaphore(%arg8 : memref<!tpu.dma_semaphore, #tpu.memory_space<semaphore_mem>>)
      %slice3A_47 = vector.extract_strided_slice %get3A_16 {offsets = [1], sizes = [1], strides = [1]} : vector<16xi32> to vector<1xi32>
      %squeeze3A_48 = vector.extract %slice3A_47[0] : i32 from vector<1xi32>
      %jit3A_49 = arith.constant 128 : i32
      %div3A_50 = arith.divsi %squeeze3A_48, %jit3A_49 : i32
      %sign3A_51 = arith.constant 0 : i32
      %sign3A_52 = arith.cmpi sgt, %squeeze3A_48, %sign3A_51 : i32
      %sign3A_53 = arith.extui %sign3A_52 : i1 to i32
      %sign3A_54 = arith.constant 0 : i32
      %sign3A_55 = arith.cmpi slt, %squeeze3A_48, %sign3A_54 : i32
      %sign3A_56 = arith.extui %sign3A_55 : i1 to i32
      %sign3A_57 = arith.subi %sign3A_53, %sign3A_56 : i32
      %sign3A_58 = arith.constant 0 : i32
      %sign3A_59 = arith.cmpi sgt, %jit3A_49, %sign3A_58 : i32
      %sign3A_60 = arith.extui %sign3A_59 : i1 to i32
      %sign3A_61 = arith.constant 0 : i32
      %sign3A_62 = arith.cmpi slt, %jit3A_49, %sign3A_61 : i32
      %sign3A_63 = arith.extui %sign3A_62 : i1 to i32
      %sign3A_64 = arith.subi %sign3A_60, %sign3A_63 : i32
      %ne3A_65 = arith.cmpi ne, %sign3A_57, %sign3A_64 : i32
      %rem3A_66 = arith.remsi %squeeze3A_48, %jit3A_49 : i32
      %ne3A_67 = arith.constant 0 : i32
      %ne3A_68 = arith.cmpi ne, %rem3A_66, %ne3A_67 : i32
      %and3A_69 = arith.andi %ne3A_65, %ne3A_68 : i1
      %sub3A_70 = arith.constant 1 : i32
      %sub3A_71 = arith.subi %div3A_50, %sub3A_70 : i32
      %select_n3A_72 = arith.select %and3A_69, %sub3A_71, %div3A_50 : i32
      %mul3A_73 = arith.constant 128 : i32
      %mul3A_74 = arith.muli %select_n3A_72, %mul3A_73 : i32
      %dma_start3A_75 = arith.constant 1 : i32
      %dma_start3A_76 = arith.constant 0 : i32
      %dma_start3A_77 = arith.constant 0 : i32
      %dma_start3A_78 = tpu.memref_slice %arg6[%dma_start3A_75, %dma_start3A_76, %dma_start3A_77] : memref<16x32x128xf32, #tpu.memory_space<vmem>> -> memref<1x32x128xf32, #tpu.memory_space<vmem>>
      %dma_start3A_79 = tpu.memref_squeeze %dma_start3A_78 : memref<1x32x128xf32, #tpu.memory_space<vmem>> -> memref<32x128xf32, #tpu.memory_space<vmem>>
      %dma_start3A_80 = arith.constant 0 : i32
      %dma_start3A_81 = tpu.memref_slice %arg3[%dma_start3A_80, %mul3A_74] : memref<32x1000001xf32, #tpu.memory_space<hbm>> -> memref<32x128xf32, #tpu.memory_space<hbm>>
      %dma_start3A_82 = arith.constant 0 : i32
      %dma_start3A_83 = arith.constant 0 : i32
      %dma_start3A_84 = tpu.memref_slice %arg6[%dma_start3A_75, %dma_start3A_82, %dma_start3A_83] : memref<16x32x128xf32, #tpu.memory_space<vmem>> -> memref<1x32x128xf32, #tpu.memory_space<vmem>>
      %dma_start3A_85 = tpu.memref_squeeze %dma_start3A_84 : memref<1x32x128xf32, #tpu.memory_space<vmem>> -> memref<32x128xf32, #tpu.memory_space<vmem>>
      %dma_start3A_86 = arith.constant 0 : i32
      %dma_start3A_87 = tpu.memref_slice %arg3[%dma_start3A_86, %mul3A_74] : memref<32x1000001xf32, #tpu.memory_space<hbm>> -> memref<32x128xf32, #tpu.memory_space<hbm>>
      tpu.enqueue_dma source(%dma_start3A_87 : memref<32x128xf32, #tpu.memory_space<hbm>>) target(%dma_start3A_85 : memref<32x128xf32, #tpu.memory_space<vmem>>) target_semaphore(%arg8 : memref<!tpu.dma_semaphore, #tpu.memory_space<semaphore_mem>>)
      %slice3A_88 = vector.extract_strided_slice %get3A_16 {offsets = [2], sizes = [1], strides = [1]} : vector<16xi32> to vector<1xi32>
      %squeeze3A_89 = vector.extract %slice3A_88[0] : i32 from vector<1xi32>
      %jit3A_90 = arith.constant 128 : i32
      %div3A_91 = arith.divsi %squeeze3A_89, %jit3A_90 : i32
      %sign3A_92 = arith.constant 0 : i32
      %sign3A_93 = arith.cmpi sgt, %squeeze3A_89, %sign3A_92 : i32
      %sign3A_94 = arith.extui %sign3A_93 : i1 to i32
      %sign3A_95 = arith.constant 0 : i32
      %sign3A_96 = arith.cmpi slt, %squeeze3A_89, %sign3A_95 : i32
      %sign3A_97 = arith.extui %sign3A_96 : i1 to i32
      %sign3A_98 = arith.subi %sign3A_94, %sign3A_97 : i32
      %sign3A_99 = arith.constant 0 : i32
      %sign3A_100 = arith.cmpi sgt, %jit3A_90, %sign3A_99 : i32
      %sign3A_101 = arith.extui %sign3A_100 : i1 to i32
      %sign3A_102 = arith.constant 0 : i32
      %sign3A_103 = arith.cmpi slt, %jit3A_90, %sign3A_102 : i32
      %sign3A_104 = arith.extui %sign3A_103 : i1 to i32
      %sign3A_105 = arith.subi %sign3A_101, %sign3A_104 : i32
      %ne3A_106 = arith.cmpi ne, %sign3A_98, %sign3A_105 : i32
      %rem3A_107 = arith.remsi %squeeze3A_89, %jit3A_90 : i32
      %ne3A_108 = arith.constant 0 : i32
      %ne3A_109 = arith.cmpi ne, %rem3A_107, %ne3A_108 : i32
      %and3A_110 = arith.andi %ne3A_106, %ne3A_109 : i1
      %sub3A_111 = arith.constant 1 : i32
      %sub3A_112 = arith.subi %div3A_91, %sub3A_111 : i32
      %select_n3A_113 = arith.select %and3A_110, %sub3A_112, %div3A_91 : i32
      %mul3A_114 = arith.constant 128 : i32
      %mul3A_115 = arith.muli %select_n3A_113, %mul3A_114 : i32
      %dma_start3A_116 = arith.constant 2 : i32
      %dma_start3A_117 = arith.constant 0 : i32
      %dma_start3A_118 = arith.constant 0 : i32
      %dma_start3A_119 = tpu.memref_slice %arg6[%dma_start3A_116, %dma_start3A_117, %dma_start3A_118] : memref<16x32x128xf32, #tpu.memory_space<vmem>> -> memref<1x32x128xf32, #tpu.memory_space<vmem>>
      %dma_start3A_120 = tpu.memref_squeeze %dma_start3A_119 : memref<1x32x128xf32, #tpu.memory_space<vmem>> -> memref<32x128xf32, #tpu.memory_space<vmem>>
      %dma_start3A_121 = arith.constant 0 : i32
      %dma_start3A_122 = tpu.memref_slice %arg3[%dma_start3A_121, %mul3A_115] : memref<32x1000001xf32, #tpu.memory_space<hbm>> -> memref<32x128xf32, #tpu.memory_space<hbm>>
      %dma_start3A_123 = arith.constant 0 : i32
      %dma_start3A_124 = arith.constant 0 : i32
      %dma_start3A_125 = tpu.memref_slice %arg6[%dma_start3A_116, %dma_start3A_123, %dma_start3A_124] : memref<16x32x128xf32, #tpu.memory_space<vmem>> -> memref<1x32x128xf32, #tpu.memory_space<vmem>>
      %dma_start3A_126 = tpu.memref_squeeze %dma_start3A_125 : memref<1x32x128xf32, #tpu.memory_space<vmem>> -> memref<32x128xf32, #tpu.memory_space<vmem>>
      %dma_start3A_127 = arith.constant 0 : i32
      %dma_start3A_128 = tpu.memref_slice %arg3[%dma_start3A_127, %mul3A_115] : memref<32x1000001xf32, #tpu.memory_space<hbm>> -> memref<32x128xf32, #tpu.memory_space<hbm>>
      tpu.enqueue_dma source(%dma_start3A_128 : memref<32x128xf32, #tpu.memory_space<hbm>>) target(%dma_start3A_126 : memref<32x128xf32, #tpu.memory_space<vmem>>) target_semaphore(%arg8 : memref<!tpu.dma_semaphore, #tpu.memory_space<semaphore_mem>>)
      %slice3A_129 = vector.extract_strided_slice %get3A_16 {offsets = [3], sizes = [1], strides = [1]} : vector<16xi32> to vector<1xi32>
      %squeeze3A_130 = vector.extract %slice3A_129[0] : i32 from vector<1xi32>
      %jit3A_131 = arith.constant 128 : i32
      %div3A_132 = arith.divsi %squeeze3A_130, %jit3A_131 : i32
      %sign3A_133 = arith.constant 0 : i32
      %sign3A_134 = arith.cmpi sgt, %squeeze3A_130, %sign3A_133 : i32
      %sign3A_135 = arith.extui %sign3A_134 : i1 to i32
      %sign3A_136 = arith.constant 0 : i32
      %sign3A_137 = arith.cmpi slt, %squeeze3A_130, %sign3A_136 : i32
      %sign3A_138 = arith.extui %sign3A_137 : i1 to i32
      %sign3A_139 = arith.subi %sign3A_135, %sign3A_138 : i32
      %sign3A_140 = arith.constant 0 : i32
      %sign3A_141 = arith.cmpi sgt, %jit3A_131, %sign3A_140 : i32
      %sign3A_142 = arith.extui %sign3A_141 : i1 to i32
      %sign3A_143 = arith.constant 0 : i32
      %sign3A_144 = arith.cmpi slt, %jit3A_131, %sign3A_143 : i32
      %sign3A_145 = arith.extui %sign3A_144 : i1 to i32
      %sign3A_146 = arith.subi %sign3A_142, %sign3A_145 : i32
      %ne3A_147 = arith.cmpi ne, %sign3A_139, %sign3A_146 : i32
      %rem3A_148 = arith.remsi %squeeze3A_130, %jit3A_131 : i32
      %ne3A_149 = arith.constant 0 : i32
      %ne3A_150 = arith.cmpi ne, %rem3A_148, %ne3A_149 : i32
      %and3A_151 = arith.andi %ne3A_147, %ne3A_150 : i1
      %sub3A_152 = arith.constant 1 : i32
      %sub3A_153 = arith.subi %div3A_132, %sub3A_152 : i32
      %select_n3A_154 = arith.select %and3A_151, %sub3A_153, %div3A_132 : i32
      %mul3A_155 = arith.constant 128 : i32
      %mul3A_156 = arith.muli %select_n3A_154, %mul3A_155 : i32
      %dma_start3A_157 = arith.constant 3 : i32
      %dma_start3A_158 = arith.constant 0 : i32
      %dma_start3A_159 = arith.constant 0 : i32
      %dma_start3A_160 = tpu.memref_slice %arg6[%dma_start3A_157, %dma_start3A_158, %dma_start3A_159] : memref<16x32x128xf32, #tpu.memory_space<vmem>> -> memref<1x32x128xf32, #tpu.memory_space<vmem>>
      %dma_start3A_161 = tpu.memref_squeeze %dma_start3A_160 : memref<1x32x128xf32, #tpu.memory_space<vmem>> -> memref<32x128xf32, #tpu.memory_space<vmem>>
      %dma_start3A_162 = arith.constant 0 : i32
      %dma_start3A_163 = tpu.memref_slice %arg3[%dma_start3A_162, %mul3A_156] : memref<32x1000001xf32, #tpu.memory_space<hbm>> -> memref<32x128xf32, #tpu.memory_space<hbm>>
      %dma_start3A_164 = arith.constant 0 : i32
      %dma_start3A_165 = arith.constant 0 : i32
      %dma_start3A_166 = tpu.memref_slice %arg6[%dma_start3A_157, %dma_start3A_164, %dma_start3A_165] : memref<16x32x128xf32, #tpu.memory_space<vmem>> -> memref<1x32x128xf32, #tpu.memory_space<vmem>>
      %dma_start3A_167 = tpu.memref_squeeze %dma_start3A_166 : memref<1x32x128xf32, #tpu.memory_space<vmem>> -> memref<32x128xf32, #tpu.memory_space<vmem>>
      %dma_start3A_168 = arith.constant 0 : i32
      %dma_start3A_169 = tpu.memref_slice %arg3[%dma_start3A_168, %mul3A_156] : memref<32x1000001xf32, #tpu.memory_space<hbm>> -> memref<32x128xf32, #tpu.memory_space<hbm>>
      tpu.enqueue_dma source(%dma_start3A_169 : memref<32x128xf32, #tpu.memory_space<hbm>>) target(%dma_start3A_167 : memref<32x128xf32, #tpu.memory_space<vmem>>) target_semaphore(%arg8 : memref<!tpu.dma_semaphore, #tpu.memory_space<semaphore_mem>>)
      %slice3A_170 = vector.extract_strided_slice %get3A_16 {offsets = [4], sizes = [1], strides = [1]} : vector<16xi32> to vector<1xi32>
      %squeeze3A_171 = vector.extract %slice3A_170[0] : i32 from vector<1xi32>
      %jit3A_172 = arith.constant 128 : i32
      %div3A_173 = arith.divsi %squeeze3A_171, %jit3A_172 : i32
      %sign3A_174 = arith.constant 0 : i32
      %sign3A_175 = arith.cmpi sgt, %squeeze3A_171, %sign3A_174 : i32
      %sign3A_176 = arith.extui %sign3A_175 : i1 to i32
      %sign3A_177 = arith.constant 0 : i32
      %sign3A_178 = arith.cmpi slt, %squeeze3A_171, %sign3A_177 : i32
      %sign3A_179 = arith.extui %sign3A_178 : i1 to i32
      %sign3A_180 = arith.subi %sign3A_176, %sign3A_179 : i32
      %sign3A_181 = arith.constant 0 : i32
      %sign3A_182 = arith.cmpi sgt, %jit3A_172, %sign3A_181 : i32
      %sign3A_183 = arith.extui %sign3A_182 : i1 to i32
      %sign3A_184 = arith.constant 0 : i32
      %sign3A_185 = arith.cmpi slt, %jit3A_172, %sign3A_184 : i32
      %sign3A_186 = arith.extui %sign3A_185 : i1 to i32
      %sign3A_187 = arith.subi %sign3A_183, %sign3A_186 : i32
      %ne3A_188 = arith.cmpi ne, %sign3A_180, %sign3A_187 : i32
      %rem3A_189 = arith.remsi %squeeze3A_171, %jit3A_172 : i32
      %ne3A_190 = arith.constant 0 : i32
      %ne3A_191 = arith.cmpi ne, %rem3A_189, %ne3A_190 : i32
      %and3A_192 = arith.andi %ne3A_188, %ne3A_191 : i1
      %sub3A_193 = arith.constant 1 : i32
      %sub3A_194 = arith.subi %div3A_173, %sub3A_193 : i32
      %select_n3A_195 = arith.select %and3A_192, %sub3A_194, %div3A_173 : i32
      %mul3A_196 = arith.constant 128 : i32
      %mul3A_197 = arith.muli %select_n3A_195, %mul3A_196 : i32
      %dma_start3A_198 = arith.constant 4 : i32
      %dma_start3A_199 = arith.constant 0 : i32
      %dma_start3A_200 = arith.constant 0 : i32
      %dma_start3A_201 = tpu.memref_slice %arg6[%dma_start3A_198, %dma_start3A_199, %dma_start3A_200] : memref<16x32x128xf32, #tpu.memory_space<vmem>> -> memref<1x32x128xf32, #tpu.memory_space<vmem>>
      %dma_start3A_202 = tpu.memref_squeeze %dma_start3A_201 : memref<1x32x128xf32, #tpu.memory_space<vmem>> -> memref<32x128xf32, #tpu.memory_space<vmem>>
      %dma_start3A_203 = arith.constant 0 : i32
      %dma_start3A_204 = tpu.memref_slice %arg3[%dma_start3A_203, %mul3A_197] : memref<32x1000001xf32, #tpu.memory_space<hbm>> -> memref<32x128xf32, #tpu.memory_space<hbm>>
      %dma_start3A_205 = arith.constant 0 : i32
      %dma_start3A_206 = arith.constant 0 : i32
      %dma_start3A_207 = tpu.memref_slice %arg6[%dma_start3A_198, %dma_start3A_205, %dma_start3A_206] : memref<16x32x128xf32, #tpu.memory_space<vmem>> -> memref<1x32x128xf32, #tpu.memory_space<vmem>>
      %dma_start3A_208 = tpu.memref_squeeze %dma_start3A_207 : memref<1x32x128xf32, #tpu.memory_space<vmem>> -> memref<32x128xf32, #tpu.memory_space<vmem>>
      %dma_start3A_209 = arith.constant 0 : i32
      %dma_start3A_210 = tpu.memref_slice %arg3[%dma_start3A_209, %mul3A_197] : memref<32x1000001xf32, #tpu.memory_space<hbm>> -> memref<32x128xf32, #tpu.memory_space<hbm>>
      tpu.enqueue_dma source(%dma_start3A_210 : memref<32x128xf32, #tpu.memory_space<hbm>>) target(%dma_start3A_208 : memref<32x128xf32, #tpu.memory_space<vmem>>) target_semaphore(%arg8 : memref<!tpu.dma_semaphore, #tpu.memory_space<semaphore_mem>>)
      %slice3A_211 = vector.extract_strided_slice %get3A_16 {offsets = [5], sizes = [1], strides = [1]} : vector<16xi32> to vector<1xi32>
      %squeeze3A_212 = vector.extract %slice3A_211[0] : i32 from vector<1xi32>
      %jit3A_213 = arith.constant 128 : i32
      %div3A_214 = arith.divsi %squeeze3A_212, %jit3A_213 : i32
      %sign3A_215 = arith.constant 0 : i32
      %sign3A_216 = arith.cmpi sgt, %squeeze3A_212, %sign3A_215 : i32
      %sign3A_217 = arith.extui %sign3A_216 : i1 to i32
      %sign3A_218 = arith.constant 0 : i32
      %sign3A_219 = arith.cmpi slt, %squeeze3A_212, %sign3A_218 : i32
      %sign3A_220 = arith.extui %sign3A_219 : i1 to i32
      %sign3A_221 = arith.subi %sign3A_217, %sign3A_220 : i32
      %sign3A_222 = arith.constant 0 : i32
      %sign3A_223 = arith.cmpi sgt, %jit3A_213, %sign3A_222 : i32
      %sign3A_224 = arith.extui %sign3A_223 : i1 to i32
      %sign3A_225 = arith.constant 0 : i32
      %sign3A_226 = arith.cmpi slt, %jit3A_213, %sign3A_225 : i32
      %sign3A_227 = arith.extui %sign3A_226 : i1 to i32
      %sign3A_228 = arith.subi %sign3A_224, %sign3A_227 : i32
      %ne3A_229 = arith.cmpi ne, %sign3A_221, %sign3A_228 : i32
      %rem3A_230 = arith.remsi %squeeze3A_212, %jit3A_213 : i32
      %ne3A_231 = arith.constant 0 : i32
      %ne3A_232 = arith.cmpi ne, %rem3A_230, %ne3A_231 : i32
      %and3A_233 = arith.andi %ne3A_229, %ne3A_232 : i1
      %sub3A_234 = arith.constant 1 : i32
      %sub3A_235 = arith.subi %div3A_214, %sub3A_234 : i32
      %select_n3A_236 = arith.select %and3A_233, %sub3A_235, %div3A_214 : i32
      %mul3A_237 = arith.constant 128 : i32
      %mul3A_238 = arith.muli %select_n3A_236, %mul3A_237 : i32
      %dma_start3A_239 = arith.constant 5 : i32
      %dma_start3A_240 = arith.constant 0 : i32
      %dma_start3A_241 = arith.constant 0 : i32
      %dma_start3A_242 = tpu.memref_slice %arg6[%dma_start3A_239, %dma_start3A_240, %dma_start3A_241] : memref<16x32x128xf32, #tpu.memory_space<vmem>> -> memref<1x32x128xf32, #tpu.memory_space<vmem>>
      %dma_start3A_243 = tpu.memref_squeeze %dma_start3A_242 : memref<1x32x128xf32, #tpu.memory_space<vmem>> -> memref<32x128xf32, #tpu.memory_space<vmem>>
      %dma_start3A_244 = arith.constant 0 : i32
      %dma_start3A_245 = tpu.memref_slice %arg3[%dma_start3A_244, %mul3A_238] : memref<32x1000001xf32, #tpu.memory_space<hbm>> -> memref<32x128xf32, #tpu.memory_space<hbm>>
      %dma_start3A_246 = arith.constant 0 : i32
      %dma_start3A_247 = arith.constant 0 : i32
      %dma_start3A_248 = tpu.memref_slice %arg6[%dma_start3A_239, %dma_start3A_246, %dma_start3A_247] : memref<16x32x128xf32, #tpu.memory_space<vmem>> -> memref<1x32x128xf32, #tpu.memory_space<vmem>>
      %dma_start3A_249 = tpu.memref_squeeze %dma_start3A_248 : memref<1x32x128xf32, #tpu.memory_space<vmem>> -> memref<32x128xf32, #tpu.memory_space<vmem>>
      %dma_start3A_250 = arith.constant 0 : i32
      %dma_start3A_251 = tpu.memref_slice %arg3[%dma_start3A_250, %mul3A_238] : memref<32x1000001xf32, #tpu.memory_space<hbm>> -> memref<32x128xf32, #tpu.memory_space<hbm>>
      tpu.enqueue_dma source(%dma_start3A_251 : memref<32x128xf32, #tpu.memory_space<hbm>>) target(%dma_start3A_249 : memref<32x128xf32, #tpu.memory_space<vmem>>) target_semaphore(%arg8 : memref<!tpu.dma_semaphore, #tpu.memory_space<semaphore_mem>>)
      %slice3A_252 = vector.extract_strided_slice %get3A_16 {offsets = [6], sizes = [1], strides = [1]} : vector<16xi32> to vector<1xi32>
      %squeeze3A_253 = vector.extract %slice3A_252[0] : i32 from vector<1xi32>
      %jit3A_254 = arith.constant 128 : i32
      %div3A_255 = arith.divsi %squeeze3A_253, %jit3A_254 : i32
      %sign3A_256 = arith.constant 0 : i32
      %sign3A_257 = arith.cmpi sgt, %squeeze3A_253, %sign3A_256 : i32
      %sign3A_258 = arith.extui %sign3A_257 : i1 to i32
      %sign3A_259 = arith.constant 0 : i32
      %sign3A_260 = arith.cmpi slt, %squeeze3A_253, %sign3A_259 : i32
      %sign3A_261 = arith.extui %sign3A_260 : i1 to i32
      %sign3A_262 = arith.subi %sign3A_258, %sign3A_261 : i32
      %sign3A_263 = arith.constant 0 : i32
      %sign3A_264 = arith.cmpi sgt, %jit3A_254, %sign3A_263 : i32
      %sign3A_265 = arith.extui %sign3A_264 : i1 to i32
      %sign3A_266 = arith.constant 0 : i32
      %sign3A_267 = arith.cmpi slt, %jit3A_254, %sign3A_266 : i32
      %sign3A_268 = arith.extui %sign3A_267 : i1 to i32
      %sign3A_269 = arith.subi %sign3A_265, %sign3A_268 : i32
      %ne3A_270 = arith.cmpi ne, %sign3A_262, %sign3A_269 : i32
      %rem3A_271 = arith.remsi %squeeze3A_253, %jit3A_254 : i32
      %ne3A_272 = arith.constant 0 : i32
      %ne3A_273 = arith.cmpi ne, %rem3A_271, %ne3A_272 : i32
      %and3A_274 = arith.andi %ne3A_270, %ne3A_273 : i1
      %sub3A_275 = arith.constant 1 : i32
      %sub3A_276 = arith.subi %div3A_255, %sub3A_275 : i32
      %select_n3A_277 = arith.select %and3A_274, %sub3A_276, %div3A_255 : i32
      %mul3A_278 = arith.constant 128 : i32
      %mul3A_279 = arith.muli %select_n3A_277, %mul3A_278 : i32
      %dma_start3A_280 = arith.constant 6 : i32
      %dma_start3A_281 = arith.constant 0 : i32
      %dma_start3A_282 = arith.constant 0 : i32
      %dma_start3A_283 = tpu.memref_slice %arg6[%dma_start3A_280, %dma_start3A_281, %dma_start3A_282] : memref<16x32x128xf32, #tpu.memory_space<vmem>> -> memref<1x32x128xf32, #tpu.memory_space<vmem>>
      %dma_start3A_284 = tpu.memref_squeeze %dma_start3A_283 : memref<1x32x128xf32, #tpu.memory_space<vmem>> -> memref<32x128xf32, #tpu.memory_space<vmem>>
      %dma_start3A_285 = arith.constant 0 : i32
      %dma_start3A_286 = tpu.memref_slice %arg3[%dma_start3A_285, %mul3A_279] : memref<32x1000001xf32, #tpu.memory_space<hbm>> -> memref<32x128xf32, #tpu.memory_space<hbm>>
      %dma_start3A_287 = arith.constant 0 : i32
      %dma_start3A_288 = arith.constant 0 : i32
      %dma_start3A_289 = tpu.memref_slice %arg6[%dma_start3A_280, %dma_start3A_287, %dma_start3A_288] : memref<16x32x128xf32, #tpu.memory_space<vmem>> -> memref<1x32x128xf32, #tpu.memory_space<vmem>>
      %dma_start3A_290 = tpu.memref_squeeze %dma_start3A_289 : memref<1x32x128xf32, #tpu.memory_space<vmem>> -> memref<32x128xf32, #tpu.memory_space<vmem>>
      %dma_start3A_291 = arith.constant 0 : i32
      %dma_start3A_292 = tpu.memref_slice %arg3[%dma_start3A_291, %mul3A_279] : memref<32x1000001xf32, #tpu.memory_space<hbm>> -> memref<32x128xf32, #tpu.memory_space<hbm>>
      tpu.enqueue_dma source(%dma_start3A_292 : memref<32x128xf32, #tpu.memory_space<hbm>>) target(%dma_start3A_290 : memref<32x128xf32, #tpu.memory_space<vmem>>) target_semaphore(%arg8 : memref<!tpu.dma_semaphore, #tpu.memory_space<semaphore_mem>>)
      %slice3A_293 = vector.extract_strided_slice %get3A_16 {offsets = [7], sizes = [1], strides = [1]} : vector<16xi32> to vector<1xi32>
      %squeeze3A_294 = vector.extract %slice3A_293[0] : i32 from vector<1xi32>
      %jit3A_295 = arith.constant 128 : i32
      %div3A_296 = arith.divsi %squeeze3A_294, %jit3A_295 : i32
      %sign3A_297 = arith.constant 0 : i32
      %sign3A_298 = arith.cmpi sgt, %squeeze3A_294, %sign3A_297 : i32
      %sign3A_299 = arith.extui %sign3A_298 : i1 to i32
      %sign3A_300 = arith.constant 0 : i32
      %sign3A_301 = arith.cmpi slt, %squeeze3A_294, %sign3A_300 : i32
      %sign3A_302 = arith.extui %sign3A_301 : i1 to i32
      %sign3A_303 = arith.subi %sign3A_299, %sign3A_302 : i32
      %sign3A_304 = arith.constant 0 : i32
      %sign3A_305 = arith.cmpi sgt, %jit3A_295, %sign3A_304 : i32
      %sign3A_306 = arith.extui %sign3A_305 : i1 to i32
      %sign3A_307 = arith.constant 0 : i32
      %sign3A_308 = arith.cmpi slt, %jit3A_295, %sign3A_307 : i32
      %sign3A_309 = arith.extui %sign3A_308 : i1 to i32
      %sign3A_310 = arith.subi %sign3A_306, %sign3A_309 : i32
      %ne3A_311 = arith.cmpi ne, %sign3A_303, %sign3A_310 : i32
      %rem3A_312 = arith.remsi %squeeze3A_294, %jit3A_295 : i32
      %ne3A_313 = arith.constant 0 : i32
      %ne3A_314 = arith.cmpi ne, %rem3A_312, %ne3A_313 : i32
      %and3A_315 = arith.andi %ne3A_311, %ne3A_314 : i1
      %sub3A_316 = arith.constant 1 : i32
      %sub3A_317 = arith.subi %div3A_296, %sub3A_316 : i32
      %select_n3A_318 = arith.select %and3A_315, %sub3A_317, %div3A_296 : i32
      %mul3A_319 = arith.constant 128 : i32
      %mul3A_320 = arith.muli %select_n3A_318, %mul3A_319 : i32
      %dma_start3A_321 = arith.constant 7 : i32
      %dma_start3A_322 = arith.constant 0 : i32
      %dma_start3A_323 = arith.constant 0 : i32
      %dma_start3A_324 = tpu.memref_slice %arg6[%dma_start3A_321, %dma_start3A_322, %dma_start3A_323] : memref<16x32x128xf32, #tpu.memory_space<vmem>> -> memref<1x32x128xf32, #tpu.memory_space<vmem>>
      %dma_start3A_325 = tpu.memref_squeeze %dma_start3A_324 : memref<1x32x128xf32, #tpu.memory_space<vmem>> -> memref<32x128xf32, #tpu.memory_space<vmem>>
      %dma_start3A_326 = arith.constant 0 : i32
      %dma_start3A_327 = tpu.memref_slice %arg3[%dma_start3A_326, %mul3A_320] : memref<32x1000001xf32, #tpu.memory_space<hbm>> -> memref<32x128xf32, #tpu.memory_space<hbm>>
      %dma_start3A_328 = arith.constant 0 : i32
      %dma_start3A_329 = arith.constant 0 : i32
      %dma_start3A_330 = tpu.memref_slice %arg6[%dma_start3A_321, %dma_start3A_328, %dma_start3A_329] : memref<16x32x128xf32, #tpu.memory_space<vmem>> -> memref<1x32x128xf32, #tpu.memory_space<vmem>>
      %dma_start3A_331 = tpu.memref_squeeze %dma_start3A_330 : memref<1x32x128xf32, #tpu.memory_space<vmem>> -> memref<32x128xf32, #tpu.memory_space<vmem>>
      %dma_start3A_332 = arith.constant 0 : i32
      %dma_start3A_333 = tpu.memref_slice %arg3[%dma_start3A_332, %mul3A_320] : memref<32x1000001xf32, #tpu.memory_space<hbm>> -> memref<32x128xf32, #tpu.memory_space<hbm>>
      tpu.enqueue_dma source(%dma_start3A_333 : memref<32x128xf32, #tpu.memory_space<hbm>>) target(%dma_start3A_331 : memref<32x128xf32, #tpu.memory_space<vmem>>) target_semaphore(%arg8 : memref<!tpu.dma_semaphore, #tpu.memory_space<semaphore_mem>>)
      %slice3A_334 = vector.extract_strided_slice %get3A_16 {offsets = [8], sizes = [1], strides = [1]} : vector<16xi32> to vector<1xi32>
      %squeeze3A_335 = vector.extract %slice3A_334[0] : i32 from vector<1xi32>
      %jit3A_336 = arith.constant 128 : i32
      %div3A_337 = arith.divsi %squeeze3A_335, %jit3A_336 : i32
      %sign3A_338 = arith.constant 0 : i32
      %sign3A_339 = arith.cmpi sgt, %squeeze3A_335, %sign3A_338 : i32
      %sign3A_340 = arith.extui %sign3A_339 : i1 to i32
      %sign3A_341 = arith.constant 0 : i32
      %sign3A_342 = arith.cmpi slt, %squeeze3A_335, %sign3A_341 : i32
      %sign3A_343 = arith.extui %sign3A_342 : i1 to i32
      %sign3A_344 = arith.subi %sign3A_340, %sign3A_343 : i32
      %sign3A_345 = arith.constant 0 : i32
      %sign3A_346 = arith.cmpi sgt, %jit3A_336, %sign3A_345 : i32
      %sign3A_347 = arith.extui %sign3A_346 : i1 to i32
      %sign3A_348 = arith.constant 0 : i32
      %sign3A_349 = arith.cmpi slt, %jit3A_336, %sign3A_348 : i32
      %sign3A_350 = arith.extui %sign3A_349 : i1 to i32
      %sign3A_351 = arith.subi %sign3A_347, %sign3A_350 : i32
      %ne3A_352 = arith.cmpi ne, %sign3A_344, %sign3A_351 : i32
      %rem3A_353 = arith.remsi %squeeze3A_335, %jit3A_336 : i32
      %ne3A_354 = arith.constant 0 : i32
      %ne3A_355 = arith.cmpi ne, %rem3A_353, %ne3A_354 : i32
      %and3A_356 = arith.andi %ne3A_352, %ne3A_355 : i1
      %sub3A_357 = arith.constant 1 : i32
      %sub3A_358 = arith.subi %div3A_337, %sub3A_357 : i32
      %select_n3A_359 = arith.select %and3A_356, %sub3A_358, %div3A_337 : i32
      %mul3A_360 = arith.constant 128 : i32
      %mul3A_361 = arith.muli %select_n3A_359, %mul3A_360 : i32
      %dma_start3A_362 = arith.constant 8 : i32
      %dma_start3A_363 = arith.constant 0 : i32
      %dma_start3A_364 = arith.constant 0 : i32
      %dma_start3A_365 = tpu.memref_slice %arg6[%dma_start3A_362, %dma_start3A_363, %dma_start3A_364] : memref<16x32x128xf32, #tpu.memory_space<vmem>> -> memref<1x32x128xf32, #tpu.memory_space<vmem>>
      %dma_start3A_366 = tpu.memref_squeeze %dma_start3A_365 : memref<1x32x128xf32, #tpu.memory_space<vmem>> -> memref<32x128xf32, #tpu.memory_space<vmem>>
      %dma_start3A_367 = arith.constant 0 : i32
      %dma_start3A_368 = tpu.memref_slice %arg3[%dma_start3A_367, %mul3A_361] : memref<32x1000001xf32, #tpu.memory_space<hbm>> -> memref<32x128xf32, #tpu.memory_space<hbm>>
      %dma_start3A_369 = arith.constant 0 : i32
      %dma_start3A_370 = arith.constant 0 : i32
      %dma_start3A_371 = tpu.memref_slice %arg6[%dma_start3A_362, %dma_start3A_369, %dma_start3A_370] : memref<16x32x128xf32, #tpu.memory_space<vmem>> -> memref<1x32x128xf32, #tpu.memory_space<vmem>>
      %dma_start3A_372 = tpu.memref_squeeze %dma_start3A_371 : memref<1x32x128xf32, #tpu.memory_space<vmem>> -> memref<32x128xf32, #tpu.memory_space<vmem>>
      %dma_start3A_373 = arith.constant 0 : i32
      %dma_start3A_374 = tpu.memref_slice %arg3[%dma_start3A_373, %mul3A_361] : memref<32x1000001xf32, #tpu.memory_space<hbm>> -> memref<32x128xf32, #tpu.memory_space<hbm>>
      tpu.enqueue_dma source(%dma_start3A_374 : memref<32x128xf32, #tpu.memory_space<hbm>>) target(%dma_start3A_372 : memref<32x128xf32, #tpu.memory_space<vmem>>) target_semaphore(%arg8 : memref<!tpu.dma_semaphore, #tpu.memory_space<semaphore_mem>>)
      %slice3A_375 = vector.extract_strided_slice %get3A_16 {offsets = [9], sizes = [1], strides = [1]} : vector<16xi32> to vector<1xi32>
      %squeeze3A_376 = vector.extract %slice3A_375[0] : i32 from vector<1xi32>
      %jit3A_377 = arith.constant 128 : i32
      %div3A_378 = arith.divsi %squeeze3A_376, %jit3A_377 : i32
      %sign3A_379 = arith.constant 0 : i32
      %sign3A_380 = arith.cmpi sgt, %squeeze3A_376, %sign3A_379 : i32
      %sign3A_381 = arith.extui %sign3A_380 : i1 to i32
      %sign3A_382 = arith.constant 0 : i32
      %sign3A_383 = arith.cmpi slt, %squeeze3A_376, %sign3A_382 : i32
      %sign3A_384 = arith.extui %sign3A_383 : i1 to i32
      %sign3A_385 = arith.subi %sign3A_381, %sign3A_384 : i32
      %sign3A_386 = arith.constant 0 : i32
      %sign3A_387 = arith.cmpi sgt, %jit3A_377, %sign3A_386 : i32
      %sign3A_388 = arith.extui %sign3A_387 : i1 to i32
      %sign3A_389 = arith.constant 0 : i32
      %sign3A_390 = arith.cmpi slt, %jit3A_377, %sign3A_389 : i32
      %sign3A_391 = arith.extui %sign3A_390 : i1 to i32
      %sign3A_392 = arith.subi %sign3A_388, %sign3A_391 : i32
      %ne3A_393 = arith.cmpi ne, %sign3A_385, %sign3A_392 : i32
      %rem3A_394 = arith.remsi %squeeze3A_376, %jit3A_377 : i32
      %ne3A_395 = arith.constant 0 : i32
      %ne3A_396 = arith.cmpi ne, %rem3A_394, %ne3A_395 : i32
      %and3A_397 = arith.andi %ne3A_393, %ne3A_396 : i1
      %sub3A_398 = arith.constant 1 : i32
      %sub3A_399 = arith.subi %div3A_378, %sub3A_398 : i32
      %select_n3A_400 = arith.select %and3A_397, %sub3A_399, %div3A_378 : i32
      %mul3A_401 = arith.constant 128 : i32
      %mul3A_402 = arith.muli %select_n3A_400, %mul3A_401 : i32
      %dma_start3A_403 = arith.constant 9 : i32
      %dma_start3A_404 = arith.constant 0 : i32
      %dma_start3A_405 = arith.constant 0 : i32
      %dma_start3A_406 = tpu.memref_slice %arg6[%dma_start3A_403, %dma_start3A_404, %dma_start3A_405] : memref<16x32x128xf32, #tpu.memory_space<vmem>> -> memref<1x32x128xf32, #tpu.memory_space<vmem>>
      %dma_start3A_407 = tpu.memref_squeeze %dma_start3A_406 : memref<1x32x128xf32, #tpu.memory_space<vmem>> -> memref<32x128xf32, #tpu.memory_space<vmem>>
      %dma_start3A_408 = arith.constant 0 : i32
      %dma_start3A_409 = tpu.memref_slice %arg3[%dma_start3A_408, %mul3A_402] : memref<32x1000001xf32, #tpu.memory_space<hbm>> -> memref<32x128xf32, #tpu.memory_space<hbm>>
      %dma_start3A_410 = arith.constant 0 : i32
      %dma_start3A_411 = arith.constant 0 : i32
      %dma_start3A_412 = tpu.memref_slice %arg6[%dma_start3A_403, %dma_start3A_410, %dma_start3A_411] : memref<16x32x128xf32, #tpu.memory_space<vmem>> -> memref<1x32x128xf32, #tpu.memory_space<vmem>>
      %dma_start3A_413 = tpu.memref_squeeze %dma_start3A_412 : memref<1x32x128xf32, #tpu.memory_space<vmem>> -> memref<32x128xf32, #tpu.memory_space<vmem>>
      %dma_start3A_414 = arith.constant 0 : i32
      %dma_start3A_415 = tpu.memref_slice %arg3[%dma_start3A_414, %mul3A_402] : memref<32x1000001xf32, #tpu.memory_space<hbm>> -> memref<32x128xf32, #tpu.memory_space<hbm>>
      tpu.enqueue_dma source(%dma_start3A_415 : memref<32x128xf32, #tpu.memory_space<hbm>>) target(%dma_start3A_413 : memref<32x128xf32, #tpu.memory_space<vmem>>) target_semaphore(%arg8 : memref<!tpu.dma_semaphore, #tpu.memory_space<semaphore_mem>>)
      %slice3A_416 = vector.extract_strided_slice %get3A_16 {offsets = [10], sizes = [1], strides = [1]} : vector<16xi32> to vector<1xi32>
      %squeeze3A_417 = vector.extract %slice3A_416[0] : i32 from vector<1xi32>
      %jit3A_418 = arith.constant 128 : i32
      %div3A_419 = arith.divsi %squeeze3A_417, %jit3A_418 : i32
      %sign3A_420 = arith.constant 0 : i32
      %sign3A_421 = arith.cmpi sgt, %squeeze3A_417, %sign3A_420 : i32
      %sign3A_422 = arith.extui %sign3A_421 : i1 to i32
      %sign3A_423 = arith.constant 0 : i32
      %sign3A_424 = arith.cmpi slt, %squeeze3A_417, %sign3A_423 : i32
      %sign3A_425 = arith.extui %sign3A_424 : i1 to i32
      %sign3A_426 = arith.subi %sign3A_422, %sign3A_425 : i32
      %sign3A_427 = arith.constant 0 : i32
      %sign3A_428 = arith.cmpi sgt, %jit3A_418, %sign3A_427 : i32
      %sign3A_429 = arith.extui %sign3A_428 : i1 to i32
      %sign3A_430 = arith.constant 0 : i32
      %sign3A_431 = arith.cmpi slt, %jit3A_418, %sign3A_430 : i32
      %sign3A_432 = arith.extui %sign3A_431 : i1 to i32
      %sign3A_433 = arith.subi %sign3A_429, %sign3A_432 : i32
      %ne3A_434 = arith.cmpi ne, %sign3A_426, %sign3A_433 : i32
      %rem3A_435 = arith.remsi %squeeze3A_417, %jit3A_418 : i32
      %ne3A_436 = arith.constant 0 : i32
      %ne3A_437 = arith.cmpi ne, %rem3A_435, %ne3A_436 : i32
      %and3A_438 = arith.andi %ne3A_434, %ne3A_437 : i1
      %sub3A_439 = arith.constant 1 : i32
      %sub3A_440 = arith.subi %div3A_419, %sub3A_439 : i32
      %select_n3A_441 = arith.select %and3A_438, %sub3A_440, %div3A_419 : i32
      %mul3A_442 = arith.constant 128 : i32
      %mul3A_443 = arith.muli %select_n3A_441, %mul3A_442 : i32
      %dma_start3A_444 = arith.constant 10 : i32
      %dma_start3A_445 = arith.constant 0 : i32
      %dma_start3A_446 = arith.constant 0 : i32
      %dma_start3A_447 = tpu.memref_slice %arg6[%dma_start3A_444, %dma_start3A_445, %dma_start3A_446] : memref<16x32x128xf32, #tpu.memory_space<vmem>> -> memref<1x32x128xf32, #tpu.memory_space<vmem>>
      %dma_start3A_448 = tpu.memref_squeeze %dma_start3A_447 : memref<1x32x128xf32, #tpu.memory_space<vmem>> -> memref<32x128xf32, #tpu.memory_space<vmem>>
      %dma_start3A_449 = arith.constant 0 : i32
      %dma_start3A_450 = tpu.memref_slice %arg3[%dma_start3A_449, %mul3A_443] : memref<32x1000001xf32, #tpu.memory_space<hbm>> -> memref<32x128xf32, #tpu.memory_space<hbm>>
      %dma_start3A_451 = arith.constant 0 : i32
      %dma_start3A_452 = arith.constant 0 : i32
      %dma_start3A_453 = tpu.memref_slice %arg6[%dma_start3A_444, %dma_start3A_451, %dma_start3A_452] : memref<16x32x128xf32, #tpu.memory_space<vmem>> -> memref<1x32x128xf32, #tpu.memory_space<vmem>>
      %dma_start3A_454 = tpu.memref_squeeze %dma_start3A_453 : memref<1x32x128xf32, #tpu.memory_space<vmem>> -> memref<32x128xf32, #tpu.memory_space<vmem>>
      %dma_start3A_455 = arith.constant 0 : i32
      %dma_start3A_456 = tpu.memref_slice %arg3[%dma_start3A_455, %mul3A_443] : memref<32x1000001xf32, #tpu.memory_space<hbm>> -> memref<32x128xf32, #tpu.memory_space<hbm>>
      tpu.enqueue_dma source(%dma_start3A_456 : memref<32x128xf32, #tpu.memory_space<hbm>>) target(%dma_start3A_454 : memref<32x128xf32, #tpu.memory_space<vmem>>) target_semaphore(%arg8 : memref<!tpu.dma_semaphore, #tpu.memory_space<semaphore_mem>>)
      %slice3A_457 = vector.extract_strided_slice %get3A_16 {offsets = [11], sizes = [1], strides = [1]} : vector<16xi32> to vector<1xi32>
      %squeeze3A_458 = vector.extract %slice3A_457[0] : i32 from vector<1xi32>
      %jit3A_459 = arith.constant 128 : i32
      %div3A_460 = arith.divsi %squeeze3A_458, %jit3A_459 : i32
      %sign3A_461 = arith.constant 0 : i32
      %sign3A_462 = arith.cmpi sgt, %squeeze3A_458, %sign3A_461 : i32
      %sign3A_463 = arith.extui %sign3A_462 : i1 to i32
      %sign3A_464 = arith.constant 0 : i32
      %sign3A_465 = arith.cmpi slt, %squeeze3A_458, %sign3A_464 : i32
      %sign3A_466 = arith.extui %sign3A_465 : i1 to i32
      %sign3A_467 = arith.subi %sign3A_463, %sign3A_466 : i32
      %sign3A_468 = arith.constant 0 : i32
      %sign3A_469 = arith.cmpi sgt, %jit3A_459, %sign3A_468 : i32
      %sign3A_470 = arith.extui %sign3A_469 : i1 to i32
      %sign3A_471 = arith.constant 0 : i32
      %sign3A_472 = arith.cmpi slt, %jit3A_459, %sign3A_471 : i32
      %sign3A_473 = arith.extui %sign3A_472 : i1 to i32
      %sign3A_474 = arith.subi %sign3A_470, %sign3A_473 : i32
      %ne3A_475 = arith.cmpi ne, %sign3A_467, %sign3A_474 : i32
      %rem3A_476 = arith.remsi %squeeze3A_458, %jit3A_459 : i32
      %ne3A_477 = arith.constant 0 : i32
      %ne3A_478 = arith.cmpi ne, %rem3A_476, %ne3A_477 : i32
      %and3A_479 = arith.andi %ne3A_475, %ne3A_478 : i1
      %sub3A_480 = arith.constant 1 : i32
      %sub3A_481 = arith.subi %div3A_460, %sub3A_480 : i32
      %select_n3A_482 = arith.select %and3A_479, %sub3A_481, %div3A_460 : i32
      %mul3A_483 = arith.constant 128 : i32
      %mul3A_484 = arith.muli %select_n3A_482, %mul3A_483 : i32
      %dma_start3A_485 = arith.constant 11 : i32
      %dma_start3A_486 = arith.constant 0 : i32
      %dma_start3A_487 = arith.constant 0 : i32
      %dma_start3A_488 = tpu.memref_slice %arg6[%dma_start3A_485, %dma_start3A_486, %dma_start3A_487] : memref<16x32x128xf32, #tpu.memory_space<vmem>> -> memref<1x32x128xf32, #tpu.memory_space<vmem>>
      %dma_start3A_489 = tpu.memref_squeeze %dma_start3A_488 : memref<1x32x128xf32, #tpu.memory_space<vmem>> -> memref<32x128xf32, #tpu.memory_space<vmem>>
      %dma_start3A_490 = arith.constant 0 : i32
      %dma_start3A_491 = tpu.memref_slice %arg3[%dma_start3A_490, %mul3A_484] : memref<32x1000001xf32, #tpu.memory_space<hbm>> -> memref<32x128xf32, #tpu.memory_space<hbm>>
      %dma_start3A_492 = arith.constant 0 : i32
      %dma_start3A_493 = arith.constant 0 : i32
      %dma_start3A_494 = tpu.memref_slice %arg6[%dma_start3A_485, %dma_start3A_492, %dma_start3A_493] : memref<16x32x128xf32, #tpu.memory_space<vmem>> -> memref<1x32x128xf32, #tpu.memory_space<vmem>>
      %dma_start3A_495 = tpu.memref_squeeze %dma_start3A_494 : memref<1x32x128xf32, #tpu.memory_space<vmem>> -> memref<32x128xf32, #tpu.memory_space<vmem>>
      %dma_start3A_496 = arith.constant 0 : i32
      %dma_start3A_497 = tpu.memref_slice %arg3[%dma_start3A_496, %mul3A_484] : memref<32x1000001xf32, #tpu.memory_space<hbm>> -> memref<32x128xf32, #tpu.memory_space<hbm>>
      tpu.enqueue_dma source(%dma_start3A_497 : memref<32x128xf32, #tpu.memory_space<hbm>>) target(%dma_start3A_495 : memref<32x128xf32, #tpu.memory_space<vmem>>) target_semaphore(%arg8 : memref<!tpu.dma_semaphore, #tpu.memory_space<semaphore_mem>>)
      %slice3A_498 = vector.extract_strided_slice %get3A_16 {offsets = [12], sizes = [1], strides = [1]} : vector<16xi32> to vector<1xi32>
      %squeeze3A_499 = vector.extract %slice3A_498[0] : i32 from vector<1xi32>
      %jit3A_500 = arith.constant 128 : i32
      %div3A_501 = arith.divsi %squeeze3A_499, %jit3A_500 : i32
      %sign3A_502 = arith.constant 0 : i32
      %sign3A_503 = arith.cmpi sgt, %squeeze3A_499, %sign3A_502 : i32
      %sign3A_504 = arith.extui %sign3A_503 : i1 to i32
      %sign3A_505 = arith.constant 0 : i32
      %sign3A_506 = arith.cmpi slt, %squeeze3A_499, %sign3A_505 : i32
      %sign3A_507 = arith.extui %sign3A_506 : i1 to i32
      %sign3A_508 = arith.subi %sign3A_504, %sign3A_507 : i32
      %sign3A_509 = arith.constant 0 : i32
      %sign3A_510 = arith.cmpi sgt, %jit3A_500, %sign3A_509 : i32
      %sign3A_511 = arith.extui %sign3A_510 : i1 to i32
      %sign3A_512 = arith.constant 0 : i32
      %sign3A_513 = arith.cmpi slt, %jit3A_500, %sign3A_512 : i32
      %sign3A_514 = arith.extui %sign3A_513 : i1 to i32
      %sign3A_515 = arith.subi %sign3A_511, %sign3A_514 : i32
      %ne3A_516 = arith.cmpi ne, %sign3A_508, %sign3A_515 : i32
      %rem3A_517 = arith.remsi %squeeze3A_499, %jit3A_500 : i32
      %ne3A_518 = arith.constant 0 : i32
      %ne3A_519 = arith.cmpi ne, %rem3A_517, %ne3A_518 : i32
      %and3A_520 = arith.andi %ne3A_516, %ne3A_519 : i1
      %sub3A_521 = arith.constant 1 : i32
      %sub3A_522 = arith.subi %div3A_501, %sub3A_521 : i32
      %select_n3A_523 = arith.select %and3A_520, %sub3A_522, %div3A_501 : i32
      %mul3A_524 = arith.constant 128 : i32
      %mul3A_525 = arith.muli %select_n3A_523, %mul3A_524 : i32
      %dma_start3A_526 = arith.constant 12 : i32
      %dma_start3A_527 = arith.constant 0 : i32
      %dma_start3A_528 = arith.constant 0 : i32
      %dma_start3A_529 = tpu.memref_slice %arg6[%dma_start3A_526, %dma_start3A_527, %dma_start3A_528] : memref<16x32x128xf32, #tpu.memory_space<vmem>> -> memref<1x32x128xf32, #tpu.memory_space<vmem>>
      %dma_start3A_530 = tpu.memref_squeeze %dma_start3A_529 : memref<1x32x128xf32, #tpu.memory_space<vmem>> -> memref<32x128xf32, #tpu.memory_space<vmem>>
      %dma_start3A_531 = arith.constant 0 : i32
      %dma_start3A_532 = tpu.memref_slice %arg3[%dma_start3A_531, %mul3A_525] : memref<32x1000001xf32, #tpu.memory_space<hbm>> -> memref<32x128xf32, #tpu.memory_space<hbm>>
      %dma_start3A_533 = arith.constant 0 : i32
      %dma_start3A_534 = arith.constant 0 : i32
      %dma_start3A_535 = tpu.memref_slice %arg6[%dma_start3A_526, %dma_start3A_533, %dma_start3A_534] : memref<16x32x128xf32, #tpu.memory_space<vmem>> -> memref<1x32x128xf32, #tpu.memory_space<vmem>>
      %dma_start3A_536 = tpu.memref_squeeze %dma_start3A_535 : memref<1x32x128xf32, #tpu.memory_space<vmem>> -> memref<32x128xf32, #tpu.memory_space<vmem>>
      %dma_start3A_537 = arith.constant 0 : i32
      %dma_start3A_538 = tpu.memref_slice %arg3[%dma_start3A_537, %mul3A_525] : memref<32x1000001xf32, #tpu.memory_space<hbm>> -> memref<32x128xf32, #tpu.memory_space<hbm>>
      tpu.enqueue_dma source(%dma_start3A_538 : memref<32x128xf32, #tpu.memory_space<hbm>>) target(%dma_start3A_536 : memref<32x128xf32, #tpu.memory_space<vmem>>) target_semaphore(%arg8 : memref<!tpu.dma_semaphore, #tpu.memory_space<semaphore_mem>>)
      %slice3A_539 = vector.extract_strided_slice %get3A_16 {offsets = [13], sizes = [1], strides = [1]} : vector<16xi32> to vector<1xi32>
      %squeeze3A_540 = vector.extract %slice3A_539[0] : i32 from vector<1xi32>
      %jit3A_541 = arith.constant 128 : i32
      %div3A_542 = arith.divsi %squeeze3A_540, %jit3A_541 : i32
      %sign3A_543 = arith.constant 0 : i32
      %sign3A_544 = arith.cmpi sgt, %squeeze3A_540, %sign3A_543 : i32
      %sign3A_545 = arith.extui %sign3A_544 : i1 to i32
      %sign3A_546 = arith.constant 0 : i32
      %sign3A_547 = arith.cmpi slt, %squeeze3A_540, %sign3A_546 : i32
      %sign3A_548 = arith.extui %sign3A_547 : i1 to i32
      %sign3A_549 = arith.subi %sign3A_545, %sign3A_548 : i32
      %sign3A_550 = arith.constant 0 : i32
      %sign3A_551 = arith.cmpi sgt, %jit3A_541, %sign3A_550 : i32
      %sign3A_552 = arith.extui %sign3A_551 : i1 to i32
      %sign3A_553 = arith.constant 0 : i32
      %sign3A_554 = arith.cmpi slt, %jit3A_541, %sign3A_553 : i32
      %sign3A_555 = arith.extui %sign3A_554 : i1 to i32
      %sign3A_556 = arith.subi %sign3A_552, %sign3A_555 : i32
      %ne3A_557 = arith.cmpi ne, %sign3A_549, %sign3A_556 : i32
      %rem3A_558 = arith.remsi %squeeze3A_540, %jit3A_541 : i32
      %ne3A_559 = arith.constant 0 : i32
      %ne3A_560 = arith.cmpi ne, %rem3A_558, %ne3A_559 : i32
      %and3A_561 = arith.andi %ne3A_557, %ne3A_560 : i1
      %sub3A_562 = arith.constant 1 : i32
      %sub3A_563 = arith.subi %div3A_542, %sub3A_562 : i32
      %select_n3A_564 = arith.select %and3A_561, %sub3A_563, %div3A_542 : i32
      %mul3A_565 = arith.constant 128 : i32
      %mul3A_566 = arith.muli %select_n3A_564, %mul3A_565 : i32
      %dma_start3A_567 = arith.constant 13 : i32
      %dma_start3A_568 = arith.constant 0 : i32
      %dma_start3A_569 = arith.constant 0 : i32
      %dma_start3A_570 = tpu.memref_slice %arg6[%dma_start3A_567, %dma_start3A_568, %dma_start3A_569] : memref<16x32x128xf32, #tpu.memory_space<vmem>> -> memref<1x32x128xf32, #tpu.memory_space<vmem>>
      %dma_start3A_571 = tpu.memref_squeeze %dma_start3A_570 : memref<1x32x128xf32, #tpu.memory_space<vmem>> -> memref<32x128xf32, #tpu.memory_space<vmem>>
      %dma_start3A_572 = arith.constant 0 : i32
      %dma_start3A_573 = tpu.memref_slice %arg3[%dma_start3A_572, %mul3A_566] : memref<32x1000001xf32, #tpu.memory_space<hbm>> -> memref<32x128xf32, #tpu.memory_space<hbm>>
      %dma_start3A_574 = arith.constant 0 : i32
      %dma_start3A_575 = arith.constant 0 : i32
      %dma_start3A_576 = tpu.memref_slice %arg6[%dma_start3A_567, %dma_start3A_574, %dma_start3A_575] : memref<16x32x128xf32, #tpu.memory_space<vmem>> -> memref<1x32x128xf32, #tpu.memory_space<vmem>>
      %dma_start3A_577 = tpu.memref_squeeze %dma_start3A_576 : memref<1x32x128xf32, #tpu.memory_space<vmem>> -> memref<32x128xf32, #tpu.memory_space<vmem>>
      %dma_start3A_578 = arith.constant 0 : i32
      %dma_start3A_579 = tpu.memref_slice %arg3[%dma_start3A_578, %mul3A_566] : memref<32x1000001xf32, #tpu.memory_space<hbm>> -> memref<32x128xf32, #tpu.memory_space<hbm>>
      tpu.enqueue_dma source(%dma_start3A_579 : memref<32x128xf32, #tpu.memory_space<hbm>>) target(%dma_start3A_577 : memref<32x128xf32, #tpu.memory_space<vmem>>) target_semaphore(%arg8 : memref<!tpu.dma_semaphore, #tpu.memory_space<semaphore_mem>>)
      %slice3A_580 = vector.extract_strided_slice %get3A_16 {offsets = [14], sizes = [1], strides = [1]} : vector<16xi32> to vector<1xi32>
      %squeeze3A_581 = vector.extract %slice3A_580[0] : i32 from vector<1xi32>
      %jit3A_582 = arith.constant 128 : i32
      %div3A_583 = arith.divsi %squeeze3A_581, %jit3A_582 : i32
      %sign3A_584 = arith.constant 0 : i32
      %sign3A_585 = arith.cmpi sgt, %squeeze3A_581, %sign3A_584 : i32
      %sign3A_586 = arith.extui %sign3A_585 : i1 to i32
      %sign3A_587 = arith.constant 0 : i32
      %sign3A_588 = arith.cmpi slt, %squeeze3A_581, %sign3A_587 : i32
      %sign3A_589 = arith.extui %sign3A_588 : i1 to i32
      %sign3A_590 = arith.subi %sign3A_586, %sign3A_589 : i32
      %sign3A_591 = arith.constant 0 : i32
      %sign3A_592 = arith.cmpi sgt, %jit3A_582, %sign3A_591 : i32
      %sign3A_593 = arith.extui %sign3A_592 : i1 to i32
      %sign3A_594 = arith.constant 0 : i32
      %sign3A_595 = arith.cmpi slt, %jit3A_582, %sign3A_594 : i32
      %sign3A_596 = arith.extui %sign3A_595 : i1 to i32
      %sign3A_597 = arith.subi %sign3A_593, %sign3A_596 : i32
      %ne3A_598 = arith.cmpi ne, %sign3A_590, %sign3A_597 : i32
      %rem3A_599 = arith.remsi %squeeze3A_581, %jit3A_582 : i32
      %ne3A_600 = arith.constant 0 : i32
      %ne3A_601 = arith.cmpi ne, %rem3A_599, %ne3A_600 : i32
      %and3A_602 = arith.andi %ne3A_598, %ne3A_601 : i1
      %sub3A_603 = arith.constant 1 : i32
      %sub3A_604 = arith.subi %div3A_583, %sub3A_603 : i32
      %select_n3A_605 = arith.select %and3A_602, %sub3A_604, %div3A_583 : i32
      %mul3A_606 = arith.constant 128 : i32
      %mul3A_607 = arith.muli %select_n3A_605, %mul3A_606 : i32
      %dma_start3A_608 = arith.constant 14 : i32
      %dma_start3A_609 = arith.constant 0 : i32
      %dma_start3A_610 = arith.constant 0 : i32
      %dma_start3A_611 = tpu.memref_slice %arg6[%dma_start3A_608, %dma_start3A_609, %dma_start3A_610] : memref<16x32x128xf32, #tpu.memory_space<vmem>> -> memref<1x32x128xf32, #tpu.memory_space<vmem>>
      %dma_start3A_612 = tpu.memref_squeeze %dma_start3A_611 : memref<1x32x128xf32, #tpu.memory_space<vmem>> -> memref<32x128xf32, #tpu.memory_space<vmem>>
      %dma_start3A_613 = arith.constant 0 : i32
      %dma_start3A_614 = tpu.memref_slice %arg3[%dma_start3A_613, %mul3A_607] : memref<32x1000001xf32, #tpu.memory_space<hbm>> -> memref<32x128xf32, #tpu.memory_space<hbm>>
      %dma_start3A_615 = arith.constant 0 : i32
      %dma_start3A_616 = arith.constant 0 : i32
      %dma_start3A_617 = tpu.memref_slice %arg6[%dma_start3A_608, %dma_start3A_615, %dma_start3A_616] : memref<16x32x128xf32, #tpu.memory_space<vmem>> -> memref<1x32x128xf32, #tpu.memory_space<vmem>>
      %dma_start3A_618 = tpu.memref_squeeze %dma_start3A_617 : memref<1x32x128xf32, #tpu.memory_space<vmem>> -> memref<32x128xf32, #tpu.memory_space<vmem>>
      %dma_start3A_619 = arith.constant 0 : i32
      %dma_start3A_620 = tpu.memref_slice %arg3[%dma_start3A_619, %mul3A_607] : memref<32x1000001xf32, #tpu.memory_space<hbm>> -> memref<32x128xf32, #tpu.memory_space<hbm>>
      tpu.enqueue_dma source(%dma_start3A_620 : memref<32x128xf32, #tpu.memory_space<hbm>>) target(%dma_start3A_618 : memref<32x128xf32, #tpu.memory_space<vmem>>) target_semaphore(%arg8 : memref<!tpu.dma_semaphore, #tpu.memory_space<semaphore_mem>>)
      %slice3A_621 = vector.extract_strided_slice %get3A_16 {offsets = [15], sizes = [1], strides = [1]} : vector<16xi32> to vector<1xi32>
      %squeeze3A_622 = vector.extract %slice3A_621[0] : i32 from vector<1xi32>
      %jit3A_623 = arith.constant 128 : i32
      %div3A_624 = arith.divsi %squeeze3A_622, %jit3A_623 : i32
      %sign3A_625 = arith.constant 0 : i32
      %sign3A_626 = arith.cmpi sgt, %squeeze3A_622, %sign3A_625 : i32
      %sign3A_627 = arith.extui %sign3A_626 : i1 to i32
      %sign3A_628 = arith.constant 0 : i32
      %sign3A_629 = arith.cmpi slt, %squeeze3A_622, %sign3A_628 : i32
      %sign3A_630 = arith.extui %sign3A_629 : i1 to i32
      %sign3A_631 = arith.subi %sign3A_627, %sign3A_630 : i32
      %sign3A_632 = arith.constant 0 : i32
      %sign3A_633 = arith.cmpi sgt, %jit3A_623, %sign3A_632 : i32
      %sign3A_634 = arith.extui %sign3A_633 : i1 to i32
      %sign3A_635 = arith.constant 0 : i32
      %sign3A_636 = arith.cmpi slt, %jit3A_623, %sign3A_635 : i32
      %sign3A_637 = arith.extui %sign3A_636 : i1 to i32
      %sign3A_638 = arith.subi %sign3A_634, %sign3A_637 : i32
      %ne3A_639 = arith.cmpi ne, %sign3A_631, %sign3A_638 : i32
      %rem3A_640 = arith.remsi %squeeze3A_622, %jit3A_623 : i32
      %ne3A_641 = arith.constant 0 : i32
      %ne3A_642 = arith.cmpi ne, %rem3A_640, %ne3A_641 : i32
      %and3A_643 = arith.andi %ne3A_639, %ne3A_642 : i1
      %sub3A_644 = arith.constant 1 : i32
      %sub3A_645 = arith.subi %div3A_624, %sub3A_644 : i32
      %select_n3A_646 = arith.select %and3A_643, %sub3A_645, %div3A_624 : i32
      %mul3A_647 = arith.constant 128 : i32
      %mul3A_648 = arith.muli %select_n3A_646, %mul3A_647 : i32
      %dma_start3A_649 = arith.constant 15 : i32
      %dma_start3A_650 = arith.constant 0 : i32
      %dma_start3A_651 = arith.constant 0 : i32
      %dma_start3A_652 = tpu.memref_slice %arg6[%dma_start3A_649, %dma_start3A_650, %dma_start3A_651] : memref<16x32x128xf32, #tpu.memory_space<vmem>> -> memref<1x32x128xf32, #tpu.memory_space<vmem>>
      %dma_start3A_653 = tpu.memref_squeeze %dma_start3A_652 : memref<1x32x128xf32, #tpu.memory_space<vmem>> -> memref<32x128xf32, #tpu.memory_space<vmem>>
      %dma_start3A_654 = arith.constant 0 : i32
      %dma_start3A_655 = tpu.memref_slice %arg3[%dma_start3A_654, %mul3A_648] : memref<32x1000001xf32, #tpu.memory_space<hbm>> -> memref<32x128xf32, #tpu.memory_space<hbm>>
      %dma_start3A_656 = arith.constant 0 : i32
      %dma_start3A_657 = arith.constant 0 : i32
      %dma_start3A_658 = tpu.memref_slice %arg6[%dma_start3A_649, %dma_start3A_656, %dma_start3A_657] : memref<16x32x128xf32, #tpu.memory_space<vmem>> -> memref<1x32x128xf32, #tpu.memory_space<vmem>>
      %dma_start3A_659 = tpu.memref_squeeze %dma_start3A_658 : memref<1x32x128xf32, #tpu.memory_space<vmem>> -> memref<32x128xf32, #tpu.memory_space<vmem>>
      %dma_start3A_660 = arith.constant 0 : i32
      %dma_start3A_661 = tpu.memref_slice %arg3[%dma_start3A_660, %mul3A_648] : memref<32x1000001xf32, #tpu.memory_space<hbm>> -> memref<32x128xf32, #tpu.memory_space<hbm>>
      tpu.enqueue_dma source(%dma_start3A_661 : memref<32x128xf32, #tpu.memory_space<hbm>>) target(%dma_start3A_659 : memref<32x128xf32, #tpu.memory_space<vmem>>) target_semaphore(%arg8 : memref<!tpu.dma_semaphore, #tpu.memory_space<semaphore_mem>>)
      %dma_wait3A = arith.constant 0 : i32
      %dma_wait3A_662 = arith.constant 0 : i32
      %dma_wait3A_663 = arith.constant 0 : i32
      %dma_wait3A_664 = tpu.memref_slice %arg6[%dma_wait3A, %dma_wait3A_662, %dma_wait3A_663] : memref<16x32x128xf32, #tpu.memory_space<vmem>> -> memref<1x32x128xf32, #tpu.memory_space<vmem>>
      %dma_wait3A_665 = tpu.memref_squeeze %dma_wait3A_664 : memref<1x32x128xf32, #tpu.memory_space<vmem>> -> memref<32x128xf32, #tpu.memory_space<vmem>>
      %dma_wait3A_666 = arith.constant 0 : i32
      %dma_wait3A_667 = tpu.memref_slice %arg3[%dma_wait3A_666, %mul3A_34] : memref<32x1000001xf32, #tpu.memory_space<hbm>> -> memref<32x128xf32, #tpu.memory_space<hbm>>
      %dma_wait3A_668 = arith.constant 0 : i32
      %dma_wait3A_669 = arith.constant 0 : i32
      %dma_wait3A_670 = tpu.memref_slice %arg6[%dma_wait3A, %dma_wait3A_668, %dma_wait3A_669] : memref<16x32x128xf32, #tpu.memory_space<vmem>> -> memref<1x32x128xf32, #tpu.memory_space<vmem>>
      %dma_wait3A_671 = tpu.memref_squeeze %dma_wait3A_670 : memref<1x32x128xf32, #tpu.memory_space<vmem>> -> memref<32x128xf32, #tpu.memory_space<vmem>>
      %dma_wait3A_672 = arith.constant 0 : i32
      %dma_wait3A_673 = tpu.memref_slice %arg3[%dma_wait3A_672, %mul3A_34] : memref<32x1000001xf32, #tpu.memory_space<hbm>> -> memref<32x128xf32, #tpu.memory_space<hbm>>
      tpu.wait_dma2 semaphore(%arg8 : memref<!tpu.dma_semaphore, #tpu.memory_space<semaphore_mem>>) src(%dma_wait3A_673 : memref<32x128xf32, #tpu.memory_space<hbm>>) dst(%dma_wait3A_671 : memref<32x128xf32, #tpu.memory_space<vmem>>)
      %slice3A_674 = vector.extract_strided_slice %get3A_16 {offsets = [0], sizes = [1], strides = [1]} : vector<16xi32> to vector<1xi32>
      %squeeze3A_675 = vector.extract %slice3A_674[0] : i32 from vector<1xi32>
      %slice3A_676 = vector.extract_strided_slice %get3A_16 {offsets = [0], sizes = [1], strides = [1]} : vector<16xi32> to vector<1xi32>
      %squeeze3A_677 = vector.extract %slice3A_676[0] : i32 from vector<1xi32>
      %jit3A_678 = arith.constant 128 : i32
      %div3A_679 = arith.divsi %squeeze3A_677, %jit3A_678 : i32
      %sign3A_680 = arith.constant 0 : i32
      %sign3A_681 = arith.cmpi sgt, %squeeze3A_677, %sign3A_680 : i32
      %sign3A_682 = arith.extui %sign3A_681 : i1 to i32
      %sign3A_683 = arith.constant 0 : i32
      %sign3A_684 = arith.cmpi slt, %squeeze3A_677, %sign3A_683 : i32
      %sign3A_685 = arith.extui %sign3A_684 : i1 to i32
      %sign3A_686 = arith.subi %sign3A_682, %sign3A_685 : i32
      %sign3A_687 = arith.constant 0 : i32
      %sign3A_688 = arith.cmpi sgt, %jit3A_678, %sign3A_687 : i32
      %sign3A_689 = arith.extui %sign3A_688 : i1 to i32
      %sign3A_690 = arith.constant 0 : i32
      %sign3A_691 = arith.cmpi slt, %jit3A_678, %sign3A_690 : i32
      %sign3A_692 = arith.extui %sign3A_691 : i1 to i32
      %sign3A_693 = arith.subi %sign3A_689, %sign3A_692 : i32
      %ne3A_694 = arith.cmpi ne, %sign3A_686, %sign3A_693 : i32
      %rem3A_695 = arith.remsi %squeeze3A_677, %jit3A_678 : i32
      %ne3A_696 = arith.constant 0 : i32
      %ne3A_697 = arith.cmpi ne, %rem3A_695, %ne3A_696 : i32
      %and3A_698 = arith.andi %ne3A_694, %ne3A_697 : i1
      %sub3A_699 = arith.constant 1 : i32
      %sub3A_700 = arith.subi %div3A_679, %sub3A_699 : i32
      %select_n3A_701 = arith.select %and3A_698, %sub3A_700, %div3A_679 : i32
      %mul3A_702 = arith.constant 128 : i32
      %mul3A_703 = arith.muli %select_n3A_701, %mul3A_702 : i32
      %sub3A_704 = arith.subi %squeeze3A_675, %mul3A_703 : i32
      %broadcast_in_dim3A = vector.broadcast %sub3A_704 : i32 to vector<16xi32>
      %gather3A = arith.constant 0 : i32
      %gather3A_705 = arith.constant 0 : i32
      %gather3A_706 = arith.constant 0 : i32
      %gather3A_707 = tpu.memref_slice %arg6[%gather3A, %gather3A_705, %gather3A_706] : memref<16x32x128xf32, #tpu.memory_space<vmem>> -> memref<1x32x128xf32, #tpu.memory_space<vmem>>
      %gather3A_708 = tpu.memref_squeeze %gather3A_707 : memref<1x32x128xf32, #tpu.memory_space<vmem>> -> memref<32x128xf32, #tpu.memory_space<vmem>>
      %gather3A_709 = tpu.vector_load_idx %gather3A_708[%iota3A, %broadcast_in_dim3A] : memref<32x128xf32, #tpu.memory_space<vmem>>[vector<16xi32>, vector<16xi32>], vector<16xf32>,
      %gather3A_710 = arith.constant 0 : i32
      %gather3A_711 = arith.constant 0 : i32
      %gather3A_712 = arith.constant 0 : i32
      %gather3A_713 = tpu.memref_slice %arg6[%gather3A_710, %gather3A_711, %gather3A_712] : memref<16x32x128xf32, #tpu.memory_space<vmem>> -> memref<1x32x128xf32, #tpu.memory_space<vmem>>
      %gather3A_714 = tpu.memref_squeeze %gather3A_713 : memref<1x32x128xf32, #tpu.memory_space<vmem>> -> memref<32x128xf32, #tpu.memory_space<vmem>>
      %gather3A_715 = tpu.vector_load_idx %gather3A_714[%add3A_5, %broadcast_in_dim3A] : memref<32x128xf32, #tpu.memory_space<vmem>>[vector<16xi32>, vector<16xi32>], vector<16xf32>,
      %add3A_716 = arith.constant 0 : i32
      %add3A_717 = arith.addi %mul3A_15, %add3A_716 : i32
      %mul3A_718 = arith.constant 32 : i32
      %mul3A_719 = arith.muli %add3A_717, %mul3A_718 : i32
      %swap3A = arith.index_cast %mul3A_719 : i32 to index
      %swap3A_720 = tpu.vector_load %arg7[%swap3A] {strides = array<i32>} : memref<16384xf32, #tpu.memory_space<vmem>>, vector<16xf32>,
      tpu.vector_store %arg7[%swap3A], %gather3A_709 {strides = array<i32>} : memref<16384xf32, #tpu.memory_space<vmem>>, vector<16xf32>,
      %add3A_721 = arith.constant 16 : i32
      %add3A_722 = arith.addi %mul3A_719, %add3A_721 : i32
      %swap3A_723 = arith.index_cast %add3A_722 : i32 to index
      %swap3A_724 = tpu.vector_load %arg7[%swap3A_723] {strides = array<i32>} : memref<16384xf32, #tpu.memory_space<vmem>>, vector<16xf32>,
      tpu.vector_store %arg7[%swap3A_723], %gather3A_715 {strides = array<i32>} : memref<16384xf32, #tpu.memory_space<vmem>>, vector<16xf32>,
      %dma_wait3A_725 = arith.constant 1 : i32
      %dma_wait3A_726 = arith.constant 0 : i32
      %dma_wait3A_727 = arith.constant 0 : i32
      %dma_wait3A_728 = tpu.memref_slice %arg6[%dma_wait3A_725, %dma_wait3A_726, %dma_wait3A_727] : memref<16x32x128xf32, #tpu.memory_space<vmem>> -> memref<1x32x128xf32, #tpu.memory_space<vmem>>
      %dma_wait3A_729 = tpu.memref_squeeze %dma_wait3A_728 : memref<1x32x128xf32, #tpu.memory_space<vmem>> -> memref<32x128xf32, #tpu.memory_space<vmem>>
      %dma_wait3A_730 = arith.constant 0 : i32
      %dma_wait3A_731 = tpu.memref_slice %arg3[%dma_wait3A_730, %mul3A_74] : memref<32x1000001xf32, #tpu.memory_space<hbm>> -> memref<32x128xf32, #tpu.memory_space<hbm>>
      %dma_wait3A_732 = arith.constant 0 : i32
      %dma_wait3A_733 = arith.constant 0 : i32
      %dma_wait3A_734 = tpu.memref_slice %arg6[%dma_wait3A_725, %dma_wait3A_732, %dma_wait3A_733] : memref<16x32x128xf32, #tpu.memory_space<vmem>> -> memref<1x32x128xf32, #tpu.memory_space<vmem>>
      %dma_wait3A_735 = tpu.memref_squeeze %dma_wait3A_734 : memref<1x32x128xf32, #tpu.memory_space<vmem>> -> memref<32x128xf32, #tpu.memory_space<vmem>>
      %dma_wait3A_736 = arith.constant 0 : i32
      %dma_wait3A_737 = tpu.memref_slice %arg3[%dma_wait3A_736, %mul3A_74] : memref<32x1000001xf32, #tpu.memory_space<hbm>> -> memref<32x128xf32, #tpu.memory_space<hbm>>
      tpu.wait_dma2 semaphore(%arg8 : memref<!tpu.dma_semaphore, #tpu.memory_space<semaphore_mem>>) src(%dma_wait3A_737 : memref<32x128xf32, #tpu.memory_space<hbm>>) dst(%dma_wait3A_735 : memref<32x128xf32, #tpu.memory_space<vmem>>)
      %slice3A_738 = vector.extract_strided_slice %get3A_16 {offsets = [1], sizes = [1], strides = [1]} : vector<16xi32> to vector<1xi32>
      %squeeze3A_739 = vector.extract %slice3A_738[0] : i32 from vector<1xi32>
      %slice3A_740 = vector.extract_strided_slice %get3A_16 {offsets = [1], sizes = [1], strides = [1]} : vector<16xi32> to vector<1xi32>
      %squeeze3A_741 = vector.extract %slice3A_740[0] : i32 from vector<1xi32>
      %jit3A_742 = arith.constant 128 : i32
      %div3A_743 = arith.divsi %squeeze3A_741, %jit3A_742 : i32
      %sign3A_744 = arith.constant 0 : i32
      %sign3A_745 = arith.cmpi sgt, %squeeze3A_741, %sign3A_744 : i32
      %sign3A_746 = arith.extui %sign3A_745 : i1 to i32
      %sign3A_747 = arith.constant 0 : i32
      %sign3A_748 = arith.cmpi slt, %squeeze3A_741, %sign3A_747 : i32
      %sign3A_749 = arith.extui %sign3A_748 : i1 to i32
      %sign3A_750 = arith.subi %sign3A_746, %sign3A_749 : i32
      %sign3A_751 = arith.constant 0 : i32
      %sign3A_752 = arith.cmpi sgt, %jit3A_742, %sign3A_751 : i32
      %sign3A_753 = arith.extui %sign3A_752 : i1 to i32
      %sign3A_754 = arith.constant 0 : i32
      %sign3A_755 = arith.cmpi slt, %jit3A_742, %sign3A_754 : i32
      %sign3A_756 = arith.extui %sign3A_755 : i1 to i32
      %sign3A_757 = arith.subi %sign3A_753, %sign3A_756 : i32
      %ne3A_758 = arith.cmpi ne, %sign3A_750, %sign3A_757 : i32
      %rem3A_759 = arith.remsi %squeeze3A_741, %jit3A_742 : i32
      %ne3A_760 = arith.constant 0 : i32
      %ne3A_761 = arith.cmpi ne, %rem3A_759, %ne3A_760 : i32
      %and3A_762 = arith.andi %ne3A_758, %ne3A_761 : i1
      %sub3A_763 = arith.constant 1 : i32
      %sub3A_764 = arith.subi %div3A_743, %sub3A_763 : i32
      %select_n3A_765 = arith.select %and3A_762, %sub3A_764, %div3A_743 : i32
      %mul3A_766 = arith.constant 128 : i32
      %mul3A_767 = arith.muli %select_n3A_765, %mul3A_766 : i32
      %sub3A_768 = arith.subi %squeeze3A_739, %mul3A_767 : i32
      %broadcast_in_dim3A_769 = vector.broadcast %sub3A_768 : i32 to vector<16xi32>
      %gather3A_770 = arith.constant 1 : i32
      %gather3A_771 = arith.constant 0 : i32
      %gather3A_772 = arith.constant 0 : i32
      %gather3A_773 = tpu.memref_slice %arg6[%gather3A_770, %gather3A_771, %gather3A_772] : memref<16x32x128xf32, #tpu.memory_space<vmem>> -> memref<1x32x128xf32, #tpu.memory_space<vmem>>
      %gather3A_774 = tpu.memref_squeeze %gather3A_773 : memref<1x32x128xf32, #tpu.memory_space<vmem>> -> memref<32x128xf32, #tpu.memory_space<vmem>>
      %gather3A_775 = tpu.vector_load_idx %gather3A_774[%iota3A, %broadcast_in_dim3A_769] : memref<32x128xf32, #tpu.memory_space<vmem>>[vector<16xi32>, vector<16xi32>], vector<16xf32>,
      %gather3A_776 = arith.constant 1 : i32
      %gather3A_777 = arith.constant 0 : i32
      %gather3A_778 = arith.constant 0 : i32
      %gather3A_779 = tpu.memref_slice %arg6[%gather3A_776, %gather3A_777, %gather3A_778] : memref<16x32x128xf32, #tpu.memory_space<vmem>> -> memref<1x32x128xf32, #tpu.memory_space<vmem>>
      %gather3A_780 = tpu.memref_squeeze %gather3A_779 : memref<1x32x128xf32, #tpu.memory_space<vmem>> -> memref<32x128xf32, #tpu.memory_space<vmem>>
      %gather3A_781 = tpu.vector_load_idx %gather3A_780[%add3A_5, %broadcast_in_dim3A_769] : memref<32x128xf32, #tpu.memory_space<vmem>>[vector<16xi32>, vector<16xi32>], vector<16xf32>,
      %add3A_782 = arith.constant 1 : i32
      %add3A_783 = arith.addi %mul3A_15, %add3A_782 : i32
      %mul3A_784 = arith.constant 32 : i32
      %mul3A_785 = arith.muli %add3A_783, %mul3A_784 : i32
      %swap3A_786 = arith.index_cast %mul3A_785 : i32 to index
      %swap3A_787 = tpu.vector_load %arg7[%swap3A_786] {strides = array<i32>} : memref<16384xf32, #tpu.memory_space<vmem>>, vector<16xf32>,
      tpu.vector_store %arg7[%swap3A_786], %gather3A_775 {strides = array<i32>} : memref<16384xf32, #tpu.memory_space<vmem>>, vector<16xf32>,
      %add3A_788 = arith.constant 16 : i32
      %add3A_789 = arith.addi %mul3A_785, %add3A_788 : i32
      %swap3A_790 = arith.index_cast %add3A_789 : i32 to index
      %swap3A_791 = tpu.vector_load %arg7[%swap3A_790] {strides = array<i32>} : memref<16384xf32, #tpu.memory_space<vmem>>, vector<16xf32>,
      tpu.vector_store %arg7[%swap3A_790], %gather3A_781 {strides = array<i32>} : memref<16384xf32, #tpu.memory_space<vmem>>, vector<16xf32>,
      %dma_wait3A_792 = arith.constant 2 : i32
      %dma_wait3A_793 = arith.constant 0 : i32
      %dma_wait3A_794 = arith.constant 0 : i32
      %dma_wait3A_795 = tpu.memref_slice %arg6[%dma_wait3A_792, %dma_wait3A_793, %dma_wait3A_794] : memref<16x32x128xf32, #tpu.memory_space<vmem>> -> memref<1x32x128xf32, #tpu.memory_space<vmem>>
      %dma_wait3A_796 = tpu.memref_squeeze %dma_wait3A_795 : memref<1x32x128xf32, #tpu.memory_space<vmem>> -> memref<32x128xf32, #tpu.memory_space<vmem>>
      %dma_wait3A_797 = arith.constant 0 : i32
      %dma_wait3A_798 = tpu.memref_slice %arg3[%dma_wait3A_797, %mul3A_115] : memref<32x1000001xf32, #tpu.memory_space<hbm>> -> memref<32x128xf32, #tpu.memory_space<hbm>>
      %dma_wait3A_799 = arith.constant 0 : i32
      %dma_wait3A_800 = arith.constant 0 : i32
      %dma_wait3A_801 = tpu.memref_slice %arg6[%dma_wait3A_792, %dma_wait3A_799, %dma_wait3A_800] : memref<16x32x128xf32, #tpu.memory_space<vmem>> -> memref<1x32x128xf32, #tpu.memory_space<vmem>>
      %dma_wait3A_802 = tpu.memref_squeeze %dma_wait3A_801 : memref<1x32x128xf32, #tpu.memory_space<vmem>> -> memref<32x128xf32, #tpu.memory_space<vmem>>
      %dma_wait3A_803 = arith.constant 0 : i32
      %dma_wait3A_804 = tpu.memref_slice %arg3[%dma_wait3A_803, %mul3A_115] : memref<32x1000001xf32, #tpu.memory_space<hbm>> -> memref<32x128xf32, #tpu.memory_space<hbm>>
      tpu.wait_dma2 semaphore(%arg8 : memref<!tpu.dma_semaphore, #tpu.memory_space<semaphore_mem>>) src(%dma_wait3A_804 : memref<32x128xf32, #tpu.memory_space<hbm>>) dst(%dma_wait3A_802 : memref<32x128xf32, #tpu.memory_space<vmem>>)
      %slice3A_805 = vector.extract_strided_slice %get3A_16 {offsets = [2], sizes = [1], strides = [1]} : vector<16xi32> to vector<1xi32>
      %squeeze3A_806 = vector.extract %slice3A_805[0] : i32 from vector<1xi32>
      %slice3A_807 = vector.extract_strided_slice %get3A_16 {offsets = [2], sizes = [1], strides = [1]} : vector<16xi32> to vector<1xi32>
      %squeeze3A_808 = vector.extract %slice3A_807[0] : i32 from vector<1xi32>
      %jit3A_809 = arith.constant 128 : i32
      %div3A_810 = arith.divsi %squeeze3A_808, %jit3A_809 : i32
      %sign3A_811 = arith.constant 0 : i32
      %sign3A_812 = arith.cmpi sgt, %squeeze3A_808, %sign3A_811 : i32
      %sign3A_813 = arith.extui %sign3A_812 : i1 to i32
      %sign3A_814 = arith.constant 0 : i32
      %sign3A_815 = arith.cmpi slt, %squeeze3A_808, %sign3A_814 : i32
      %sign3A_816 = arith.extui %sign3A_815 : i1 to i32
      %sign3A_817 = arith.subi %sign3A_813, %sign3A_816 : i32
      %sign3A_818 = arith.constant 0 : i32
      %sign3A_819 = arith.cmpi sgt, %jit3A_809, %sign3A_818 : i32
      %sign3A_820 = arith.extui %sign3A_819 : i1 to i32
      %sign3A_821 = arith.constant 0 : i32
      %sign3A_822 = arith.cmpi slt, %jit3A_809, %sign3A_821 : i32
      %sign3A_823 = arith.extui %sign3A_822 : i1 to i32
      %sign3A_824 = arith.subi %sign3A_820, %sign3A_823 : i32
      %ne3A_825 = arith.cmpi ne, %sign3A_817, %sign3A_824 : i32
      %rem3A_826 = arith.remsi %squeeze3A_808, %jit3A_809 : i32
      %ne3A_827 = arith.constant 0 : i32
      %ne3A_828 = arith.cmpi ne, %rem3A_826, %ne3A_827 : i32
      %and3A_829 = arith.andi %ne3A_825, %ne3A_828 : i1
      %sub3A_830 = arith.constant 1 : i32
      %sub3A_831 = arith.subi %div3A_810, %sub3A_830 : i32
      %select_n3A_832 = arith.select %and3A_829, %sub3A_831, %div3A_810 : i32
      %mul3A_833 = arith.constant 128 : i32
      %mul3A_834 = arith.muli %select_n3A_832, %mul3A_833 : i32
      %sub3A_835 = arith.subi %squeeze3A_806, %mul3A_834 : i32
      %broadcast_in_dim3A_836 = vector.broadcast %sub3A_835 : i32 to vector<16xi32>
      %gather3A_837 = arith.constant 2 : i32
      %gather3A_838 = arith.constant 0 : i32
      %gather3A_839 = arith.constant 0 : i32
      %gather3A_840 = tpu.memref_slice %arg6[%gather3A_837, %gather3A_838, %gather3A_839] : memref<16x32x128xf32, #tpu.memory_space<vmem>> -> memref<1x32x128xf32, #tpu.memory_space<vmem>>
      %gather3A_841 = tpu.memref_squeeze %gather3A_840 : memref<1x32x128xf32, #tpu.memory_space<vmem>> -> memref<32x128xf32, #tpu.memory_space<vmem>>
      %gather3A_842 = tpu.vector_load_idx %gather3A_841[%iota3A, %broadcast_in_dim3A_836] : memref<32x128xf32, #tpu.memory_space<vmem>>[vector<16xi32>, vector<16xi32>], vector<16xf32>,
      %gather3A_843 = arith.constant 2 : i32
      %gather3A_844 = arith.constant 0 : i32
      %gather3A_845 = arith.constant 0 : i32
      %gather3A_846 = tpu.memref_slice %arg6[%gather3A_843, %gather3A_844, %gather3A_845] : memref<16x32x128xf32, #tpu.memory_space<vmem>> -> memref<1x32x128xf32, #tpu.memory_space<vmem>>
      %gather3A_847 = tpu.memref_squeeze %gather3A_846 : memref<1x32x128xf32, #tpu.memory_space<vmem>> -> memref<32x128xf32, #tpu.memory_space<vmem>>
      %gather3A_848 = tpu.vector_load_idx %gather3A_847[%add3A_5, %broadcast_in_dim3A_836] : memref<32x128xf32, #tpu.memory_space<vmem>>[vector<16xi32>, vector<16xi32>], vector<16xf32>,
      %add3A_849 = arith.constant 2 : i32
      %add3A_850 = arith.addi %mul3A_15, %add3A_849 : i32
      %mul3A_851 = arith.constant 32 : i32
      %mul3A_852 = arith.muli %add3A_850, %mul3A_851 : i32
      %swap3A_853 = arith.index_cast %mul3A_852 : i32 to index
      %swap3A_854 = tpu.vector_load %arg7[%swap3A_853] {strides = array<i32>} : memref<16384xf32, #tpu.memory_space<vmem>>, vector<16xf32>,
      tpu.vector_store %arg7[%swap3A_853], %gather3A_842 {strides = array<i32>} : memref<16384xf32, #tpu.memory_space<vmem>>, vector<16xf32>,
      %add3A_855 = arith.constant 16 : i32
      %add3A_856 = arith.addi %mul3A_852, %add3A_855 : i32
      %swap3A_857 = arith.index_cast %add3A_856 : i32 to index
      %swap3A_858 = tpu.vector_load %arg7[%swap3A_857] {strides = array<i32>} : memref<16384xf32, #tpu.memory_space<vmem>>, vector<16xf32>,
      tpu.vector_store %arg7[%swap3A_857], %gather3A_848 {strides = array<i32>} : memref<16384xf32, #tpu.memory_space<vmem>>, vector<16xf32>,
      %dma_wait3A_859 = arith.constant 3 : i32
      %dma_wait3A_860 = arith.constant 0 : i32
      %dma_wait3A_861 = arith.constant 0 : i32
      %dma_wait3A_862 = tpu.memref_slice %arg6[%dma_wait3A_859, %dma_wait3A_860, %dma_wait3A_861] : memref<16x32x128xf32, #tpu.memory_space<vmem>> -> memref<1x32x128xf32, #tpu.memory_space<vmem>>
      %dma_wait3A_863 = tpu.memref_squeeze %dma_wait3A_862 : memref<1x32x128xf32, #tpu.memory_space<vmem>> -> memref<32x128xf32, #tpu.memory_space<vmem>>
      %dma_wait3A_864 = arith.constant 0 : i32
      %dma_wait3A_865 = tpu.memref_slice %arg3[%dma_wait3A_864, %mul3A_156] : memref<32x1000001xf32, #tpu.memory_space<hbm>> -> memref<32x128xf32, #tpu.memory_space<hbm>>
      %dma_wait3A_866 = arith.constant 0 : i32
      %dma_wait3A_867 = arith.constant 0 : i32
      %dma_wait3A_868 = tpu.memref_slice %arg6[%dma_wait3A_859, %dma_wait3A_866, %dma_wait3A_867] : memref<16x32x128xf32, #tpu.memory_space<vmem>> -> memref<1x32x128xf32, #tpu.memory_space<vmem>>
      %dma_wait3A_869 = tpu.memref_squeeze %dma_wait3A_868 : memref<1x32x128xf32, #tpu.memory_space<vmem>> -> memref<32x128xf32, #tpu.memory_space<vmem>>
      %dma_wait3A_870 = arith.constant 0 : i32
      %dma_wait3A_871 = tpu.memref_slice %arg3[%dma_wait3A_870, %mul3A_156] : memref<32x1000001xf32, #tpu.memory_space<hbm>> -> memref<32x128xf32, #tpu.memory_space<hbm>>
      tpu.wait_dma2 semaphore(%arg8 : memref<!tpu.dma_semaphore, #tpu.memory_space<semaphore_mem>>) src(%dma_wait3A_871 : memref<32x128xf32, #tpu.memory_space<hbm>>) dst(%dma_wait3A_869 : memref<32x128xf32, #tpu.memory_space<vmem>>)
      %slice3A_872 = vector.extract_strided_slice %get3A_16 {offsets = [3], sizes = [1], strides = [1]} : vector<16xi32> to vector<1xi32>
      %squeeze3A_873 = vector.extract %slice3A_872[0] : i32 from vector<1xi32>
      %slice3A_874 = vector.extract_strided_slice %get3A_16 {offsets = [3], sizes = [1], strides = [1]} : vector<16xi32> to vector<1xi32>
      %squeeze3A_875 = vector.extract %slice3A_874[0] : i32 from vector<1xi32>
      %jit3A_876 = arith.constant 128 : i32
      %div3A_877 = arith.divsi %squeeze3A_875, %jit3A_876 : i32
      %sign3A_878 = arith.constant 0 : i32
      %sign3A_879 = arith.cmpi sgt, %squeeze3A_875, %sign3A_878 : i32
      %sign3A_880 = arith.extui %sign3A_879 : i1 to i32
      %sign3A_881 = arith.constant 0 : i32
      %sign3A_882 = arith.cmpi slt, %squeeze3A_875, %sign3A_881 : i32
      %sign3A_883 = arith.extui %sign3A_882 : i1 to i32
      %sign3A_884 = arith.subi %sign3A_880, %sign3A_883 : i32
      %sign3A_885 = arith.constant 0 : i32
      %sign3A_886 = arith.cmpi sgt, %jit3A_876, %sign3A_885 : i32
      %sign3A_887 = arith.extui %sign3A_886 : i1 to i32
      %sign3A_888 = arith.constant 0 : i32
      %sign3A_889 = arith.cmpi slt, %jit3A_876, %sign3A_888 : i32
      %sign3A_890 = arith.extui %sign3A_889 : i1 to i32
      %sign3A_891 = arith.subi %sign3A_887, %sign3A_890 : i32
      %ne3A_892 = arith.cmpi ne, %sign3A_884, %sign3A_891 : i32
      %rem3A_893 = arith.remsi %squeeze3A_875, %jit3A_876 : i32
      %ne3A_894 = arith.constant 0 : i32
      %ne3A_895 = arith.cmpi ne, %rem3A_893, %ne3A_894 : i32
      %and3A_896 = arith.andi %ne3A_892, %ne3A_895 : i1
      %sub3A_897 = arith.constant 1 : i32
      %sub3A_898 = arith.subi %div3A_877, %sub3A_897 : i32
      %select_n3A_899 = arith.select %and3A_896, %sub3A_898, %div3A_877 : i32
      %mul3A_900 = arith.constant 128 : i32
      %mul3A_901 = arith.muli %select_n3A_899, %mul3A_900 : i32
      %sub3A_902 = arith.subi %squeeze3A_873, %mul3A_901 : i32
      %broadcast_in_dim3A_903 = vector.broadcast %sub3A_902 : i32 to vector<16xi32>
      %gather3A_904 = arith.constant 3 : i32
      %gather3A_905 = arith.constant 0 : i32
      %gather3A_906 = arith.constant 0 : i32
      %gather3A_907 = tpu.memref_slice %arg6[%gather3A_904, %gather3A_905, %gather3A_906] : memref<16x32x128xf32, #tpu.memory_space<vmem>> -> memref<1x32x128xf32, #tpu.memory_space<vmem>>
      %gather3A_908 = tpu.memref_squeeze %gather3A_907 : memref<1x32x128xf32, #tpu.memory_space<vmem>> -> memref<32x128xf32, #tpu.memory_space<vmem>>
      %gather3A_909 = tpu.vector_load_idx %gather3A_908[%iota3A, %broadcast_in_dim3A_903] : memref<32x128xf32, #tpu.memory_space<vmem>>[vector<16xi32>, vector<16xi32>], vector<16xf32>,
      %gather3A_910 = arith.constant 3 : i32
      %gather3A_911 = arith.constant 0 : i32
      %gather3A_912 = arith.constant 0 : i32
      %gather3A_913 = tpu.memref_slice %arg6[%gather3A_910, %gather3A_911, %gather3A_912] : memref<16x32x128xf32, #tpu.memory_space<vmem>> -> memref<1x32x128xf32, #tpu.memory_space<vmem>>
      %gather3A_914 = tpu.memref_squeeze %gather3A_913 : memref<1x32x128xf32, #tpu.memory_space<vmem>> -> memref<32x128xf32, #tpu.memory_space<vmem>>
      %gather3A_915 = tpu.vector_load_idx %gather3A_914[%add3A_5, %broadcast_in_dim3A_903] : memref<32x128xf32, #tpu.memory_space<vmem>>[vector<16xi32>, vector<16xi32>], vector<16xf32>,
      %add3A_916 = arith.constant 3 : i32
      %add3A_917 = arith.addi %mul3A_15, %add3A_916 : i32
      %mul3A_918 = arith.constant 32 : i32
      %mul3A_919 = arith.muli %add3A_917, %mul3A_918 : i32
      %swap3A_920 = arith.index_cast %mul3A_919 : i32 to index
      %swap3A_921 = tpu.vector_load %arg7[%swap3A_920] {strides = array<i32>} : memref<16384xf32, #tpu.memory_space<vmem>>, vector<16xf32>,
      tpu.vector_store %arg7[%swap3A_920], %gather3A_909 {strides = array<i32>} : memref<16384xf32, #tpu.memory_space<vmem>>, vector<16xf32>,
      %add3A_922 = arith.constant 16 : i32
      %add3A_923 = arith.addi %mul3A_919, %add3A_922 : i32
      %swap3A_924 = arith.index_cast %add3A_923 : i32 to index
      %swap3A_925 = tpu.vector_load %arg7[%swap3A_924] {strides = array<i32>} : memref<16384xf32, #tpu.memory_space<vmem>>, vector<16xf32>,
      tpu.vector_store %arg7[%swap3A_924], %gather3A_915 {strides = array<i32>} : memref<16384xf32, #tpu.memory_space<vmem>>, vector<16xf32>,
      %dma_wait3A_926 = arith.constant 4 : i32
      %dma_wait3A_927 = arith.constant 0 : i32
      %dma_wait3A_928 = arith.constant 0 : i32
      %dma_wait3A_929 = tpu.memref_slice %arg6[%dma_wait3A_926, %dma_wait3A_927, %dma_wait3A_928] : memref<16x32x128xf32, #tpu.memory_space<vmem>> -> memref<1x32x128xf32, #tpu.memory_space<vmem>>
      %dma_wait3A_930 = tpu.memref_squeeze %dma_wait3A_929 : memref<1x32x128xf32, #tpu.memory_space<vmem>> -> memref<32x128xf32, #tpu.memory_space<vmem>>
      %dma_wait3A_931 = arith.constant 0 : i32
      %dma_wait3A_932 = tpu.memref_slice %arg3[%dma_wait3A_931, %mul3A_197] : memref<32x1000001xf32, #tpu.memory_space<hbm>> -> memref<32x128xf32, #tpu.memory_space<hbm>>
      %dma_wait3A_933 = arith.constant 0 : i32
      %dma_wait3A_934 = arith.constant 0 : i32
      %dma_wait3A_935 = tpu.memref_slice %arg6[%dma_wait3A_926, %dma_wait3A_933, %dma_wait3A_934] : memref<16x32x128xf32, #tpu.memory_space<vmem>> -> memref<1x32x128xf32, #tpu.memory_space<vmem>>
      %dma_wait3A_936 = tpu.memref_squeeze %dma_wait3A_935 : memref<1x32x128xf32, #tpu.memory_space<vmem>> -> memref<32x128xf32, #tpu.memory_space<vmem>>
      %dma_wait3A_937 = arith.constant 0 : i32
      %dma_wait3A_938 = tpu.memref_slice %arg3[%dma_wait3A_937, %mul3A_197] : memref<32x1000001xf32, #tpu.memory_space<hbm>> -> memref<32x128xf32, #tpu.memory_space<hbm>>
      tpu.wait_dma2 semaphore(%arg8 : memref<!tpu.dma_semaphore, #tpu.memory_space<semaphore_mem>>) src(%dma_wait3A_938 : memref<32x128xf32, #tpu.memory_space<hbm>>) dst(%dma_wait3A_936 : memref<32x128xf32, #tpu.memory_space<vmem>>)
      %slice3A_939 = vector.extract_strided_slice %get3A_16 {offsets = [4], sizes = [1], strides = [1]} : vector<16xi32> to vector<1xi32>
      %squeeze3A_940 = vector.extract %slice3A_939[0] : i32 from vector<1xi32>
      %slice3A_941 = vector.extract_strided_slice %get3A_16 {offsets = [4], sizes = [1], strides = [1]} : vector<16xi32> to vector<1xi32>
      %squeeze3A_942 = vector.extract %slice3A_941[0] : i32 from vector<1xi32>
      %jit3A_943 = arith.constant 128 : i32
      %div3A_944 = arith.divsi %squeeze3A_942, %jit3A_943 : i32
      %sign3A_945 = arith.constant 0 : i32
      %sign3A_946 = arith.cmpi sgt, %squeeze3A_942, %sign3A_945 : i32
      %sign3A_947 = arith.extui %sign3A_946 : i1 to i32
      %sign3A_948 = arith.constant 0 : i32
      %sign3A_949 = arith.cmpi slt, %squeeze3A_942, %sign3A_948 : i32
      %sign3A_950 = arith.extui %sign3A_949 : i1 to i32
      %sign3A_951 = arith.subi %sign3A_947, %sign3A_950 : i32
      %sign3A_952 = arith.constant 0 : i32
      %sign3A_953 = arith.cmpi sgt, %jit3A_943, %sign3A_952 : i32
      %sign3A_954 = arith.extui %sign3A_953 : i1 to i32
      %sign3A_955 = arith.constant 0 : i32
      %sign3A_956 = arith.cmpi slt, %jit3A_943, %sign3A_955 : i32
      %sign3A_957 = arith.extui %sign3A_956 : i1 to i32
      %sign3A_958 = arith.subi %sign3A_954, %sign3A_957 : i32
      %ne3A_959 = arith.cmpi ne, %sign3A_951, %sign3A_958 : i32
      %rem3A_960 = arith.remsi %squeeze3A_942, %jit3A_943 : i32
      %ne3A_961 = arith.constant 0 : i32
      %ne3A_962 = arith.cmpi ne, %rem3A_960, %ne3A_961 : i32
      %and3A_963 = arith.andi %ne3A_959, %ne3A_962 : i1
      %sub3A_964 = arith.constant 1 : i32
      %sub3A_965 = arith.subi %div3A_944, %sub3A_964 : i32
      %select_n3A_966 = arith.select %and3A_963, %sub3A_965, %div3A_944 : i32
      %mul3A_967 = arith.constant 128 : i32
      %mul3A_968 = arith.muli %select_n3A_966, %mul3A_967 : i32
      %sub3A_969 = arith.subi %squeeze3A_940, %mul3A_968 : i32
      %broadcast_in_dim3A_970 = vector.broadcast %sub3A_969 : i32 to vector<16xi32>
      %gather3A_971 = arith.constant 4 : i32
      %gather3A_972 = arith.constant 0 : i32
      %gather3A_973 = arith.constant 0 : i32
      %gather3A_974 = tpu.memref_slice %arg6[%gather3A_971, %gather3A_972, %gather3A_973] : memref<16x32x128xf32, #tpu.memory_space<vmem>> -> memref<1x32x128xf32, #tpu.memory_space<vmem>>
      %gather3A_975 = tpu.memref_squeeze %gather3A_974 : memref<1x32x128xf32, #tpu.memory_space<vmem>> -> memref<32x128xf32, #tpu.memory_space<vmem>>
      %gather3A_976 = tpu.vector_load_idx %gather3A_975[%iota3A, %broadcast_in_dim3A_970] : memref<32x128xf32, #tpu.memory_space<vmem>>[vector<16xi32>, vector<16xi32>], vector<16xf32>,
      %gather3A_977 = arith.constant 4 : i32
      %gather3A_978 = arith.constant 0 : i32
      %gather3A_979 = arith.constant 0 : i32
      %gather3A_980 = tpu.memref_slice %arg6[%gather3A_977, %gather3A_978, %gather3A_979] : memref<16x32x128xf32, #tpu.memory_space<vmem>> -> memref<1x32x128xf32, #tpu.memory_space<vmem>>
      %gather3A_981 = tpu.memref_squeeze %gather3A_980 : memref<1x32x128xf32, #tpu.memory_space<vmem>> -> memref<32x128xf32, #tpu.memory_space<vmem>>
      %gather3A_982 = tpu.vector_load_idx %gather3A_981[%add3A_5, %broadcast_in_dim3A_970] : memref<32x128xf32, #tpu.memory_space<vmem>>[vector<16xi32>, vector<16xi32>], vector<16xf32>,
      %add3A_983 = arith.constant 4 : i32
      %add3A_984 = arith.addi %mul3A_15, %add3A_983 : i32
      %mul3A_985 = arith.constant 32 : i32
      %mul3A_986 = arith.muli %add3A_984, %mul3A_985 : i32
      %swap3A_987 = arith.index_cast %mul3A_986 : i32 to index
      %swap3A_988 = tpu.vector_load %arg7[%swap3A_987] {strides = array<i32>} : memref<16384xf32, #tpu.memory_space<vmem>>, vector<16xf32>,
      tpu.vector_store %arg7[%swap3A_987], %gather3A_976 {strides = array<i32>} : memref<16384xf32, #tpu.memory_space<vmem>>, vector<16xf32>,
      %add3A_989 = arith.constant 16 : i32
      %add3A_990 = arith.addi %mul3A_986, %add3A_989 : i32
      %swap3A_991 = arith.index_cast %add3A_990 : i32 to index
      %swap3A_992 = tpu.vector_load %arg7[%swap3A_991] {strides = array<i32>} : memref<16384xf32, #tpu.memory_space<vmem>>, vector<16xf32>,
      tpu.vector_store %arg7[%swap3A_991], %gather3A_982 {strides = array<i32>} : memref<16384xf32, #tpu.memory_space<vmem>>, vector<16xf32>,
      %dma_wait3A_993 = arith.constant 5 : i32
      %dma_wait3A_994 = arith.constant 0 : i32
      %dma_wait3A_995 = arith.constant 0 : i32
      %dma_wait3A_996 = tpu.memref_slice %arg6[%dma_wait3A_993, %dma_wait3A_994, %dma_wait3A_995] : memref<16x32x128xf32, #tpu.memory_space<vmem>> -> memref<1x32x128xf32, #tpu.memory_space<vmem>>
      %dma_wait3A_997 = tpu.memref_squeeze %dma_wait3A_996 : memref<1x32x128xf32, #tpu.memory_space<vmem>> -> memref<32x128xf32, #tpu.memory_space<vmem>>
      %dma_wait3A_998 = arith.constant 0 : i32
      %dma_wait3A_999 = tpu.memref_slice %arg3[%dma_wait3A_998, %mul3A_238] : memref<32x1000001xf32, #tpu.memory_space<hbm>> -> memref<32x128xf32, #tpu.memory_space<hbm>>
      %dma_wait3A_1000 = arith.constant 0 : i32
      %dma_wait3A_1001 = arith.constant 0 : i32
      %dma_wait3A_1002 = tpu.memref_slice %arg6[%dma_wait3A_993, %dma_wait3A_1000, %dma_wait3A_1001] : memref<16x32x128xf32, #tpu.memory_space<vmem>> -> memref<1x32x128xf32, #tpu.memory_space<vmem>>
      %dma_wait3A_1003 = tpu.memref_squeeze %dma_wait3A_1002 : memref<1x32x128xf32, #tpu.memory_space<vmem>> -> memref<32x128xf32, #tpu.memory_space<vmem>>
      %dma_wait3A_1004 = arith.constant 0 : i32
      %dma_wait3A_1005 = tpu.memref_slice %arg3[%dma_wait3A_1004, %mul3A_238] : memref<32x1000001xf32, #tpu.memory_space<hbm>> -> memref<32x128xf32, #tpu.memory_space<hbm>>
      tpu.wait_dma2 semaphore(%arg8 : memref<!tpu.dma_semaphore, #tpu.memory_space<semaphore_mem>>) src(%dma_wait3A_1005 : memref<32x128xf32, #tpu.memory_space<hbm>>) dst(%dma_wait3A_1003 : memref<32x128xf32, #tpu.memory_space<vmem>>)
      %slice3A_1006 = vector.extract_strided_slice %get3A_16 {offsets = [5], sizes = [1], strides = [1]} : vector<16xi32> to vector<1xi32>
      %squeeze3A_1007 = vector.extract %slice3A_1006[0] : i32 from vector<1xi32>
      %slice3A_1008 = vector.extract_strided_slice %get3A_16 {offsets = [5], sizes = [1], strides = [1]} : vector<16xi32> to vector<1xi32>
      %squeeze3A_1009 = vector.extract %slice3A_1008[0] : i32 from vector<1xi32>
      %jit3A_1010 = arith.constant 128 : i32
      %div3A_1011 = arith.divsi %squeeze3A_1009, %jit3A_1010 : i32
      %sign3A_1012 = arith.constant 0 : i32
      %sign3A_1013 = arith.cmpi sgt, %squeeze3A_1009, %sign3A_1012 : i32
      %sign3A_1014 = arith.extui %sign3A_1013 : i1 to i32
      %sign3A_1015 = arith.constant 0 : i32
      %sign3A_1016 = arith.cmpi slt, %squeeze3A_1009, %sign3A_1015 : i32
      %sign3A_1017 = arith.extui %sign3A_1016 : i1 to i32
      %sign3A_1018 = arith.subi %sign3A_1014, %sign3A_1017 : i32
      %sign3A_1019 = arith.constant 0 : i32
      %sign3A_1020 = arith.cmpi sgt, %jit3A_1010, %sign3A_1019 : i32
      %sign3A_1021 = arith.extui %sign3A_1020 : i1 to i32
      %sign3A_1022 = arith.constant 0 : i32
      %sign3A_1023 = arith.cmpi slt, %jit3A_1010, %sign3A_1022 : i32
      %sign3A_1024 = arith.extui %sign3A_1023 : i1 to i32
      %sign3A_1025 = arith.subi %sign3A_1021, %sign3A_1024 : i32
      %ne3A_1026 = arith.cmpi ne, %sign3A_1018, %sign3A_1025 : i32
      %rem3A_1027 = arith.remsi %squeeze3A_1009, %jit3A_1010 : i32
      %ne3A_1028 = arith.constant 0 : i32
      %ne3A_1029 = arith.cmpi ne, %rem3A_1027, %ne3A_1028 : i32
      %and3A_1030 = arith.andi %ne3A_1026, %ne3A_1029 : i1
      %sub3A_1031 = arith.constant 1 : i32
      %sub3A_1032 = arith.subi %div3A_1011, %sub3A_1031 : i32
      %select_n3A_1033 = arith.select %and3A_1030, %sub3A_1032, %div3A_1011 : i32
      %mul3A_1034 = arith.constant 128 : i32
      %mul3A_1035 = arith.muli %select_n3A_1033, %mul3A_1034 : i32
      %sub3A_1036 = arith.subi %squeeze3A_1007, %mul3A_1035 : i32
      %broadcast_in_dim3A_1037 = vector.broadcast %sub3A_1036 : i32 to vector<16xi32>
      %gather3A_1038 = arith.constant 5 : i32
      %gather3A_1039 = arith.constant 0 : i32
      %gather3A_1040 = arith.constant 0 : i32
      %gather3A_1041 = tpu.memref_slice %arg6[%gather3A_1038, %gather3A_1039, %gather3A_1040] : memref<16x32x128xf32, #tpu.memory_space<vmem>> -> memref<1x32x128xf32, #tpu.memory_space<vmem>>
      %gather3A_1042 = tpu.memref_squeeze %gather3A_1041 : memref<1x32x128xf32, #tpu.memory_space<vmem>> -> memref<32x128xf32, #tpu.memory_space<vmem>>
      %gather3A_1043 = tpu.vector_load_idx %gather3A_1042[%iota3A, %broadcast_in_dim3A_1037] : memref<32x128xf32, #tpu.memory_space<vmem>>[vector<16xi32>, vector<16xi32>], vector<16xf32>,
      %gather3A_1044 = arith.constant 5 : i32
      %gather3A_1045 = arith.constant 0 : i32
      %gather3A_1046 = arith.constant 0 : i32
      %gather3A_1047 = tpu.memref_slice %arg6[%gather3A_1044, %gather3A_1045, %gather3A_1046] : memref<16x32x128xf32, #tpu.memory_space<vmem>> -> memref<1x32x128xf32, #tpu.memory_space<vmem>>
      %gather3A_1048 = tpu.memref_squeeze %gather3A_1047 : memref<1x32x128xf32, #tpu.memory_space<vmem>> -> memref<32x128xf32, #tpu.memory_space<vmem>>
      %gather3A_1049 = tpu.vector_load_idx %gather3A_1048[%add3A_5, %broadcast_in_dim3A_1037] : memref<32x128xf32, #tpu.memory_space<vmem>>[vector<16xi32>, vector<16xi32>], vector<16xf32>,
      %add3A_1050 = arith.constant 5 : i32
      %add3A_1051 = arith.addi %mul3A_15, %add3A_1050 : i32
      %mul3A_1052 = arith.constant 32 : i32
      %mul3A_1053 = arith.muli %add3A_1051, %mul3A_1052 : i32
      %swap3A_1054 = arith.index_cast %mul3A_1053 : i32 to index
      %swap3A_1055 = tpu.vector_load %arg7[%swap3A_1054] {strides = array<i32>} : memref<16384xf32, #tpu.memory_space<vmem>>, vector<16xf32>,
      tpu.vector_store %arg7[%swap3A_1054], %gather3A_1043 {strides = array<i32>} : memref<16384xf32, #tpu.memory_space<vmem>>, vector<16xf32>,
      %add3A_1056 = arith.constant 16 : i32
      %add3A_1057 = arith.addi %mul3A_1053, %add3A_1056 : i32
      %swap3A_1058 = arith.index_cast %add3A_1057 : i32 to index
      %swap3A_1059 = tpu.vector_load %arg7[%swap3A_1058] {strides = array<i32>} : memref<16384xf32, #tpu.memory_space<vmem>>, vector<16xf32>,
      tpu.vector_store %arg7[%swap3A_1058], %gather3A_1049 {strides = array<i32>} : memref<16384xf32, #tpu.memory_space<vmem>>, vector<16xf32>,
      %dma_wait3A_1060 = arith.constant 6 : i32
      %dma_wait3A_1061 = arith.constant 0 : i32
      %dma_wait3A_1062 = arith.constant 0 : i32
      %dma_wait3A_1063 = tpu.memref_slice %arg6[%dma_wait3A_1060, %dma_wait3A_1061, %dma_wait3A_1062] : memref<16x32x128xf32, #tpu.memory_space<vmem>> -> memref<1x32x128xf32, #tpu.memory_space<vmem>>
      %dma_wait3A_1064 = tpu.memref_squeeze %dma_wait3A_1063 : memref<1x32x128xf32, #tpu.memory_space<vmem>> -> memref<32x128xf32, #tpu.memory_space<vmem>>
      %dma_wait3A_1065 = arith.constant 0 : i32
      %dma_wait3A_1066 = tpu.memref_slice %arg3[%dma_wait3A_1065, %mul3A_279] : memref<32x1000001xf32, #tpu.memory_space<hbm>> -> memref<32x128xf32, #tpu.memory_space<hbm>>
      %dma_wait3A_1067 = arith.constant 0 : i32
      %dma_wait3A_1068 = arith.constant 0 : i32
      %dma_wait3A_1069 = tpu.memref_slice %arg6[%dma_wait3A_1060, %dma_wait3A_1067, %dma_wait3A_1068] : memref<16x32x128xf32, #tpu.memory_space<vmem>> -> memref<1x32x128xf32, #tpu.memory_space<vmem>>
      %dma_wait3A_1070 = tpu.memref_squeeze %dma_wait3A_1069 : memref<1x32x128xf32, #tpu.memory_space<vmem>> -> memref<32x128xf32, #tpu.memory_space<vmem>>
      %dma_wait3A_1071 = arith.constant 0 : i32
      %dma_wait3A_1072 = tpu.memref_slice %arg3[%dma_wait3A_1071, %mul3A_279] : memref<32x1000001xf32, #tpu.memory_space<hbm>> -> memref<32x128xf32, #tpu.memory_space<hbm>>
      tpu.wait_dma2 semaphore(%arg8 : memref<!tpu.dma_semaphore, #tpu.memory_space<semaphore_mem>>) src(%dma_wait3A_1072 : memref<32x128xf32, #tpu.memory_space<hbm>>) dst(%dma_wait3A_1070 : memref<32x128xf32, #tpu.memory_space<vmem>>)
      %slice3A_1073 = vector.extract_strided_slice %get3A_16 {offsets = [6], sizes = [1], strides = [1]} : vector<16xi32> to vector<1xi32>
      %squeeze3A_1074 = vector.extract %slice3A_1073[0] : i32 from vector<1xi32>
      %slice3A_1075 = vector.extract_strided_slice %get3A_16 {offsets = [6], sizes = [1], strides = [1]} : vector<16xi32> to vector<1xi32>
      %squeeze3A_1076 = vector.extract %slice3A_1075[0] : i32 from vector<1xi32>
      %jit3A_1077 = arith.constant 128 : i32
      %div3A_1078 = arith.divsi %squeeze3A_1076, %jit3A_1077 : i32
      %sign3A_1079 = arith.constant 0 : i32
      %sign3A_1080 = arith.cmpi sgt, %squeeze3A_1076, %sign3A_1079 : i32
      %sign3A_1081 = arith.extui %sign3A_1080 : i1 to i32
      %sign3A_1082 = arith.constant 0 : i32
      %sign3A_1083 = arith.cmpi slt, %squeeze3A_1076, %sign3A_1082 : i32
      %sign3A_1084 = arith.extui %sign3A_1083 : i1 to i32
      %sign3A_1085 = arith.subi %sign3A_1081, %sign3A_1084 : i32
      %sign3A_1086 = arith.constant 0 : i32
      %sign3A_1087 = arith.cmpi sgt, %jit3A_1077, %sign3A_1086 : i32
      %sign3A_1088 = arith.extui %sign3A_1087 : i1 to i32
      %sign3A_1089 = arith.constant 0 : i32
      %sign3A_1090 = arith.cmpi slt, %jit3A_1077, %sign3A_1089 : i32
      %sign3A_1091 = arith.extui %sign3A_1090 : i1 to i32
      %sign3A_1092 = arith.subi %sign3A_1088, %sign3A_1091 : i32
      %ne3A_1093 = arith.cmpi ne, %sign3A_1085, %sign3A_1092 : i32
      %rem3A_1094 = arith.remsi %squeeze3A_1076, %jit3A_1077 : i32
      %ne3A_1095 = arith.constant 0 : i32
      %ne3A_1096 = arith.cmpi ne, %rem3A_1094, %ne3A_1095 : i32
      %and3A_1097 = arith.andi %ne3A_1093, %ne3A_1096 : i1
      %sub3A_1098 = arith.constant 1 : i32
      %sub3A_1099 = arith.subi %div3A_1078, %sub3A_1098 : i32
      %select_n3A_1100 = arith.select %and3A_1097, %sub3A_1099, %div3A_1078 : i32
      %mul3A_1101 = arith.constant 128 : i32
      %mul3A_1102 = arith.muli %select_n3A_1100, %mul3A_1101 : i32
      %sub3A_1103 = arith.subi %squeeze3A_1074, %mul3A_1102 : i32
      %broadcast_in_dim3A_1104 = vector.broadcast %sub3A_1103 : i32 to vector<16xi32>
      %gather3A_1105 = arith.constant 6 : i32
      %gather3A_1106 = arith.constant 0 : i32
      %gather3A_1107 = arith.constant 0 : i32
      %gather3A_1108 = tpu.memref_slice %arg6[%gather3A_1105, %gather3A_1106, %gather3A_1107] : memref<16x32x128xf32, #tpu.memory_space<vmem>> -> memref<1x32x128xf32, #tpu.memory_space<vmem>>
      %gather3A_1109 = tpu.memref_squeeze %gather3A_1108 : memref<1x32x128xf32, #tpu.memory_space<vmem>> -> memref<32x128xf32, #tpu.memory_space<vmem>>
      %gather3A_1110 = tpu.vector_load_idx %gather3A_1109[%iota3A, %broadcast_in_dim3A_1104] : memref<32x128xf32, #tpu.memory_space<vmem>>[vector<16xi32>, vector<16xi32>], vector<16xf32>,
      %gather3A_1111 = arith.constant 6 : i32
      %gather3A_1112 = arith.constant 0 : i32
      %gather3A_1113 = arith.constant 0 : i32
      %gather3A_1114 = tpu.memref_slice %arg6[%gather3A_1111, %gather3A_1112, %gather3A_1113] : memref<16x32x128xf32, #tpu.memory_space<vmem>> -> memref<1x32x128xf32, #tpu.memory_space<vmem>>
      %gather3A_1115 = tpu.memref_squeeze %gather3A_1114 : memref<1x32x128xf32, #tpu.memory_space<vmem>> -> memref<32x128xf32, #tpu.memory_space<vmem>>
      %gather3A_1116 = tpu.vector_load_idx %gather3A_1115[%add3A_5, %broadcast_in_dim3A_1104] : memref<32x128xf32, #tpu.memory_space<vmem>>[vector<16xi32>, vector<16xi32>], vector<16xf32>,
      %add3A_1117 = arith.constant 6 : i32
      %add3A_1118 = arith.addi %mul3A_15, %add3A_1117 : i32
      %mul3A_1119 = arith.constant 32 : i32
      %mul3A_1120 = arith.muli %add3A_1118, %mul3A_1119 : i32
      %swap3A_1121 = arith.index_cast %mul3A_1120 : i32 to index
      %swap3A_1122 = tpu.vector_load %arg7[%swap3A_1121] {strides = array<i32>} : memref<16384xf32, #tpu.memory_space<vmem>>, vector<16xf32>,
      tpu.vector_store %arg7[%swap3A_1121], %gather3A_1110 {strides = array<i32>} : memref<16384xf32, #tpu.memory_space<vmem>>, vector<16xf32>,
      %add3A_1123 = arith.constant 16 : i32
      %add3A_1124 = arith.addi %mul3A_1120, %add3A_1123 : i32
      %swap3A_1125 = arith.index_cast %add3A_1124 : i32 to index
      %swap3A_1126 = tpu.vector_load %arg7[%swap3A_1125] {strides = array<i32>} : memref<16384xf32, #tpu.memory_space<vmem>>, vector<16xf32>,
      tpu.vector_store %arg7[%swap3A_1125], %gather3A_1116 {strides = array<i32>} : memref<16384xf32, #tpu.memory_space<vmem>>, vector<16xf32>,
      %dma_wait3A_1127 = arith.constant 7 : i32
      %dma_wait3A_1128 = arith.constant 0 : i32
      %dma_wait3A_1129 = arith.constant 0 : i32
      %dma_wait3A_1130 = tpu.memref_slice %arg6[%dma_wait3A_1127, %dma_wait3A_1128, %dma_wait3A_1129] : memref<16x32x128xf32, #tpu.memory_space<vmem>> -> memref<1x32x128xf32, #tpu.memory_space<vmem>>
      %dma_wait3A_1131 = tpu.memref_squeeze %dma_wait3A_1130 : memref<1x32x128xf32, #tpu.memory_space<vmem>> -> memref<32x128xf32, #tpu.memory_space<vmem>>
      %dma_wait3A_1132 = arith.constant 0 : i32
      %dma_wait3A_1133 = tpu.memref_slice %arg3[%dma_wait3A_1132, %mul3A_320] : memref<32x1000001xf32, #tpu.memory_space<hbm>> -> memref<32x128xf32, #tpu.memory_space<hbm>>
      %dma_wait3A_1134 = arith.constant 0 : i32
      %dma_wait3A_1135 = arith.constant 0 : i32
      %dma_wait3A_1136 = tpu.memref_slice %arg6[%dma_wait3A_1127, %dma_wait3A_1134, %dma_wait3A_1135] : memref<16x32x128xf32, #tpu.memory_space<vmem>> -> memref<1x32x128xf32, #tpu.memory_space<vmem>>
      %dma_wait3A_1137 = tpu.memref_squeeze %dma_wait3A_1136 : memref<1x32x128xf32, #tpu.memory_space<vmem>> -> memref<32x128xf32, #tpu.memory_space<vmem>>
      %dma_wait3A_1138 = arith.constant 0 : i32
      %dma_wait3A_1139 = tpu.memref_slice %arg3[%dma_wait3A_1138, %mul3A_320] : memref<32x1000001xf32, #tpu.memory_space<hbm>> -> memref<32x128xf32, #tpu.memory_space<hbm>>
      tpu.wait_dma2 semaphore(%arg8 : memref<!tpu.dma_semaphore, #tpu.memory_space<semaphore_mem>>) src(%dma_wait3A_1139 : memref<32x128xf32, #tpu.memory_space<hbm>>) dst(%dma_wait3A_1137 : memref<32x128xf32, #tpu.memory_space<vmem>>)
      %slice3A_1140 = vector.extract_strided_slice %get3A_16 {offsets = [7], sizes = [1], strides = [1]} : vector<16xi32> to vector<1xi32>
      %squeeze3A_1141 = vector.extract %slice3A_1140[0] : i32 from vector<1xi32>
      %slice3A_1142 = vector.extract_strided_slice %get3A_16 {offsets = [7], sizes = [1], strides = [1]} : vector<16xi32> to vector<1xi32>
      %squeeze3A_1143 = vector.extract %slice3A_1142[0] : i32 from vector<1xi32>
      %jit3A_1144 = arith.constant 128 : i32
      %div3A_1145 = arith.divsi %squeeze3A_1143, %jit3A_1144 : i32
      %sign3A_1146 = arith.constant 0 : i32
      %sign3A_1147 = arith.cmpi sgt, %squeeze3A_1143, %sign3A_1146 : i32
      %sign3A_1148 = arith.extui %sign3A_1147 : i1 to i32
      %sign3A_1149 = arith.constant 0 : i32
      %sign3A_1150 = arith.cmpi slt, %squeeze3A_1143, %sign3A_1149 : i32
      %sign3A_1151 = arith.extui %sign3A_1150 : i1 to i32
      %sign3A_1152 = arith.subi %sign3A_1148, %sign3A_1151 : i32
      %sign3A_1153 = arith.constant 0 : i32
      %sign3A_1154 = arith.cmpi sgt, %jit3A_1144, %sign3A_1153 : i32
      %sign3A_1155 = arith.extui %sign3A_1154 : i1 to i32
      %sign3A_1156 = arith.constant 0 : i32
      %sign3A_1157 = arith.cmpi slt, %jit3A_1144, %sign3A_1156 : i32
      %sign3A_1158 = arith.extui %sign3A_1157 : i1 to i32
      %sign3A_1159 = arith.subi %sign3A_1155, %sign3A_1158 : i32
      %ne3A_1160 = arith.cmpi ne, %sign3A_1152, %sign3A_1159 : i32
      %rem3A_1161 = arith.remsi %squeeze3A_1143, %jit3A_1144 : i32
      %ne3A_1162 = arith.constant 0 : i32
      %ne3A_1163 = arith.cmpi ne, %rem3A_1161, %ne3A_1162 : i32
      %and3A_1164 = arith.andi %ne3A_1160, %ne3A_1163 : i1
      %sub3A_1165 = arith.constant 1 : i32
      %sub3A_1166 = arith.subi %div3A_1145, %sub3A_1165 : i32
      %select_n3A_1167 = arith.select %and3A_1164, %sub3A_1166, %div3A_1145 : i32
      %mul3A_1168 = arith.constant 128 : i32
      %mul3A_1169 = arith.muli %select_n3A_1167, %mul3A_1168 : i32
      %sub3A_1170 = arith.subi %squeeze3A_1141, %mul3A_1169 : i32
      %broadcast_in_dim3A_1171 = vector.broadcast %sub3A_1170 : i32 to vector<16xi32>
      %gather3A_1172 = arith.constant 7 : i32
      %gather3A_1173 = arith.constant 0 : i32
      %gather3A_1174 = arith.constant 0 : i32
      %gather3A_1175 = tpu.memref_slice %arg6[%gather3A_1172, %gather3A_1173, %gather3A_1174] : memref<16x32x128xf32, #tpu.memory_space<vmem>> -> memref<1x32x128xf32, #tpu.memory_space<vmem>>
      %gather3A_1176 = tpu.memref_squeeze %gather3A_1175 : memref<1x32x128xf32, #tpu.memory_space<vmem>> -> memref<32x128xf32, #tpu.memory_space<vmem>>
      %gather3A_1177 = tpu.vector_load_idx %gather3A_1176[%iota3A, %broadcast_in_dim3A_1171] : memref<32x128xf32, #tpu.memory_space<vmem>>[vector<16xi32>, vector<16xi32>], vector<16xf32>,
      %gather3A_1178 = arith.constant 7 : i32
      %gather3A_1179 = arith.constant 0 : i32
      %gather3A_1180 = arith.constant 0 : i32
      %gather3A_1181 = tpu.memref_slice %arg6[%gather3A_1178, %gather3A_1179, %gather3A_1180] : memref<16x32x128xf32, #tpu.memory_space<vmem>> -> memref<1x32x128xf32, #tpu.memory_space<vmem>>
      %gather3A_1182 = tpu.memref_squeeze %gather3A_1181 : memref<1x32x128xf32, #tpu.memory_space<vmem>> -> memref<32x128xf32, #tpu.memory_space<vmem>>
      %gather3A_1183 = tpu.vector_load_idx %gather3A_1182[%add3A_5, %broadcast_in_dim3A_1171] : memref<32x128xf32, #tpu.memory_space<vmem>>[vector<16xi32>, vector<16xi32>], vector<16xf32>,
      %add3A_1184 = arith.constant 7 : i32
      %add3A_1185 = arith.addi %mul3A_15, %add3A_1184 : i32
      %mul3A_1186 = arith.constant 32 : i32
      %mul3A_1187 = arith.muli %add3A_1185, %mul3A_1186 : i32
      %swap3A_1188 = arith.index_cast %mul3A_1187 : i32 to index
      %swap3A_1189 = tpu.vector_load %arg7[%swap3A_1188] {strides = array<i32>} : memref<16384xf32, #tpu.memory_space<vmem>>, vector<16xf32>,
      tpu.vector_store %arg7[%swap3A_1188], %gather3A_1177 {strides = array<i32>} : memref<16384xf32, #tpu.memory_space<vmem>>, vector<16xf32>,
      %add3A_1190 = arith.constant 16 : i32
      %add3A_1191 = arith.addi %mul3A_1187, %add3A_1190 : i32
      %swap3A_1192 = arith.index_cast %add3A_1191 : i32 to index
      %swap3A_1193 = tpu.vector_load %arg7[%swap3A_1192] {strides = array<i32>} : memref<16384xf32, #tpu.memory_space<vmem>>, vector<16xf32>,
      tpu.vector_store %arg7[%swap3A_1192], %gather3A_1183 {strides = array<i32>} : memref<16384xf32, #tpu.memory_space<vmem>>, vector<16xf32>,
      %dma_wait3A_1194 = arith.constant 8 : i32
      %dma_wait3A_1195 = arith.constant 0 : i32
      %dma_wait3A_1196 = arith.constant 0 : i32
      %dma_wait3A_1197 = tpu.memref_slice %arg6[%dma_wait3A_1194, %dma_wait3A_1195, %dma_wait3A_1196] : memref<16x32x128xf32, #tpu.memory_space<vmem>> -> memref<1x32x128xf32, #tpu.memory_space<vmem>>
      %dma_wait3A_1198 = tpu.memref_squeeze %dma_wait3A_1197 : memref<1x32x128xf32, #tpu.memory_space<vmem>> -> memref<32x128xf32, #tpu.memory_space<vmem>>
      %dma_wait3A_1199 = arith.constant 0 : i32
      %dma_wait3A_1200 = tpu.memref_slice %arg3[%dma_wait3A_1199, %mul3A_361] : memref<32x1000001xf32, #tpu.memory_space<hbm>> -> memref<32x128xf32, #tpu.memory_space<hbm>>
      %dma_wait3A_1201 = arith.constant 0 : i32
      %dma_wait3A_1202 = arith.constant 0 : i32
      %dma_wait3A_1203 = tpu.memref_slice %arg6[%dma_wait3A_1194, %dma_wait3A_1201, %dma_wait3A_1202] : memref<16x32x128xf32, #tpu.memory_space<vmem>> -> memref<1x32x128xf32, #tpu.memory_space<vmem>>
      %dma_wait3A_1204 = tpu.memref_squeeze %dma_wait3A_1203 : memref<1x32x128xf32, #tpu.memory_space<vmem>> -> memref<32x128xf32, #tpu.memory_space<vmem>>
      %dma_wait3A_1205 = arith.constant 0 : i32
      %dma_wait3A_1206 = tpu.memref_slice %arg3[%dma_wait3A_1205, %mul3A_361] : memref<32x1000001xf32, #tpu.memory_space<hbm>> -> memref<32x128xf32, #tpu.memory_space<hbm>>
      tpu.wait_dma2 semaphore(%arg8 : memref<!tpu.dma_semaphore, #tpu.memory_space<semaphore_mem>>) src(%dma_wait3A_1206 : memref<32x128xf32, #tpu.memory_space<hbm>>) dst(%dma_wait3A_1204 : memref<32x128xf32, #tpu.memory_space<vmem>>)
      %slice3A_1207 = vector.extract_strided_slice %get3A_16 {offsets = [8], sizes = [1], strides = [1]} : vector<16xi32> to vector<1xi32>
      %squeeze3A_1208 = vector.extract %slice3A_1207[0] : i32 from vector<1xi32>
      %slice3A_1209 = vector.extract_strided_slice %get3A_16 {offsets = [8], sizes = [1], strides = [1]} : vector<16xi32> to vector<1xi32>
      %squeeze3A_1210 = vector.extract %slice3A_1209[0] : i32 from vector<1xi32>
      %jit3A_1211 = arith.constant 128 : i32
      %div3A_1212 = arith.divsi %squeeze3A_1210, %jit3A_1211 : i32
      %sign3A_1213 = arith.constant 0 : i32
      %sign3A_1214 = arith.cmpi sgt, %squeeze3A_1210, %sign3A_1213 : i32
      %sign3A_1215 = arith.extui %sign3A_1214 : i1 to i32
      %sign3A_1216 = arith.constant 0 : i32
      %sign3A_1217 = arith.cmpi slt, %squeeze3A_1210, %sign3A_1216 : i32
      %sign3A_1218 = arith.extui %sign3A_1217 : i1 to i32
      %sign3A_1219 = arith.subi %sign3A_1215, %sign3A_1218 : i32
      %sign3A_1220 = arith.constant 0 : i32
      %sign3A_1221 = arith.cmpi sgt, %jit3A_1211, %sign3A_1220 : i32
      %sign3A_1222 = arith.extui %sign3A_1221 : i1 to i32
      %sign3A_1223 = arith.constant 0 : i32
      %sign3A_1224 = arith.cmpi slt, %jit3A_1211, %sign3A_1223 : i32
      %sign3A_1225 = arith.extui %sign3A_1224 : i1 to i32
      %sign3A_1226 = arith.subi %sign3A_1222, %sign3A_1225 : i32
      %ne3A_1227 = arith.cmpi ne, %sign3A_1219, %sign3A_1226 : i32
      %rem3A_1228 = arith.remsi %squeeze3A_1210, %jit3A_1211 : i32
      %ne3A_1229 = arith.constant 0 : i32
      %ne3A_1230 = arith.cmpi ne, %rem3A_1228, %ne3A_1229 : i32
      %and3A_1231 = arith.andi %ne3A_1227, %ne3A_1230 : i1
      %sub3A_1232 = arith.constant 1 : i32
      %sub3A_1233 = arith.subi %div3A_1212, %sub3A_1232 : i32
      %select_n3A_1234 = arith.select %and3A_1231, %sub3A_1233, %div3A_1212 : i32
      %mul3A_1235 = arith.constant 128 : i32
      %mul3A_1236 = arith.muli %select_n3A_1234, %mul3A_1235 : i32
      %sub3A_1237 = arith.subi %squeeze3A_1208, %mul3A_1236 : i32
      %broadcast_in_dim3A_1238 = vector.broadcast %sub3A_1237 : i32 to vector<16xi32>
      %gather3A_1239 = arith.constant 8 : i32
      %gather3A_1240 = arith.constant 0 : i32
      %gather3A_1241 = arith.constant 0 : i32
      %gather3A_1242 = tpu.memref_slice %arg6[%gather3A_1239, %gather3A_1240, %gather3A_1241] : memref<16x32x128xf32, #tpu.memory_space<vmem>> -> memref<1x32x128xf32, #tpu.memory_space<vmem>>
      %gather3A_1243 = tpu.memref_squeeze %gather3A_1242 : memref<1x32x128xf32, #tpu.memory_space<vmem>> -> memref<32x128xf32, #tpu.memory_space<vmem>>
      %gather3A_1244 = tpu.vector_load_idx %gather3A_1243[%iota3A, %broadcast_in_dim3A_1238] : memref<32x128xf32, #tpu.memory_space<vmem>>[vector<16xi32>, vector<16xi32>], vector<16xf32>,
      %gather3A_1245 = arith.constant 8 : i32
      %gather3A_1246 = arith.constant 0 : i32
      %gather3A_1247 = arith.constant 0 : i32
      %gather3A_1248 = tpu.memref_slice %arg6[%gather3A_1245, %gather3A_1246, %gather3A_1247] : memref<16x32x128xf32, #tpu.memory_space<vmem>> -> memref<1x32x128xf32, #tpu.memory_space<vmem>>
      %gather3A_1249 = tpu.memref_squeeze %gather3A_1248 : memref<1x32x128xf32, #tpu.memory_space<vmem>> -> memref<32x128xf32, #tpu.memory_space<vmem>>
      %gather3A_1250 = tpu.vector_load_idx %gather3A_1249[%add3A_5, %broadcast_in_dim3A_1238] : memref<32x128xf32, #tpu.memory_space<vmem>>[vector<16xi32>, vector<16xi32>], vector<16xf32>,
      %add3A_1251 = arith.constant 8 : i32
      %add3A_1252 = arith.addi %mul3A_15, %add3A_1251 : i32
      %mul3A_1253 = arith.constant 32 : i32
      %mul3A_1254 = arith.muli %add3A_1252, %mul3A_1253 : i32
      %swap3A_1255 = arith.index_cast %mul3A_1254 : i32 to index
      %swap3A_1256 = tpu.vector_load %arg7[%swap3A_1255] {strides = array<i32>} : memref<16384xf32, #tpu.memory_space<vmem>>, vector<16xf32>,
      tpu.vector_store %arg7[%swap3A_1255], %gather3A_1244 {strides = array<i32>} : memref<16384xf32, #tpu.memory_space<vmem>>, vector<16xf32>,
      %add3A_1257 = arith.constant 16 : i32
      %add3A_1258 = arith.addi %mul3A_1254, %add3A_1257 : i32
      %swap3A_1259 = arith.index_cast %add3A_1258 : i32 to index
      %swap3A_1260 = tpu.vector_load %arg7[%swap3A_1259] {strides = array<i32>} : memref<16384xf32, #tpu.memory_space<vmem>>, vector<16xf32>,
      tpu.vector_store %arg7[%swap3A_1259], %gather3A_1250 {strides = array<i32>} : memref<16384xf32, #tpu.memory_space<vmem>>, vector<16xf32>,
      %dma_wait3A_1261 = arith.constant 9 : i32
      %dma_wait3A_1262 = arith.constant 0 : i32
      %dma_wait3A_1263 = arith.constant 0 : i32
      %dma_wait3A_1264 = tpu.memref_slice %arg6[%dma_wait3A_1261, %dma_wait3A_1262, %dma_wait3A_1263] : memref<16x32x128xf32, #tpu.memory_space<vmem>> -> memref<1x32x128xf32, #tpu.memory_space<vmem>>
      %dma_wait3A_1265 = tpu.memref_squeeze %dma_wait3A_1264 : memref<1x32x128xf32, #tpu.memory_space<vmem>> -> memref<32x128xf32, #tpu.memory_space<vmem>>
      %dma_wait3A_1266 = arith.constant 0 : i32
      %dma_wait3A_1267 = tpu.memref_slice %arg3[%dma_wait3A_1266, %mul3A_402] : memref<32x1000001xf32, #tpu.memory_space<hbm>> -> memref<32x128xf32, #tpu.memory_space<hbm>>
      %dma_wait3A_1268 = arith.constant 0 : i32
      %dma_wait3A_1269 = arith.constant 0 : i32
      %dma_wait3A_1270 = tpu.memref_slice %arg6[%dma_wait3A_1261, %dma_wait3A_1268, %dma_wait3A_1269] : memref<16x32x128xf32, #tpu.memory_space<vmem>> -> memref<1x32x128xf32, #tpu.memory_space<vmem>>
      %dma_wait3A_1271 = tpu.memref_squeeze %dma_wait3A_1270 : memref<1x32x128xf32, #tpu.memory_space<vmem>> -> memref<32x128xf32, #tpu.memory_space<vmem>>
      %dma_wait3A_1272 = arith.constant 0 : i32
      %dma_wait3A_1273 = tpu.memref_slice %arg3[%dma_wait3A_1272, %mul3A_402] : memref<32x1000001xf32, #tpu.memory_space<hbm>> -> memref<32x128xf32, #tpu.memory_space<hbm>>
      tpu.wait_dma2 semaphore(%arg8 : memref<!tpu.dma_semaphore, #tpu.memory_space<semaphore_mem>>) src(%dma_wait3A_1273 : memref<32x128xf32, #tpu.memory_space<hbm>>) dst(%dma_wait3A_1271 : memref<32x128xf32, #tpu.memory_space<vmem>>)
      %slice3A_1274 = vector.extract_strided_slice %get3A_16 {offsets = [9], sizes = [1], strides = [1]} : vector<16xi32> to vector<1xi32>
      %squeeze3A_1275 = vector.extract %slice3A_1274[0] : i32 from vector<1xi32>
      %slice3A_1276 = vector.extract_strided_slice %get3A_16 {offsets = [9], sizes = [1], strides = [1]} : vector<16xi32> to vector<1xi32>
      %squeeze3A_1277 = vector.extract %slice3A_1276[0] : i32 from vector<1xi32>
      %jit3A_1278 = arith.constant 128 : i32
      %div3A_1279 = arith.divsi %squeeze3A_1277, %jit3A_1278 : i32
      %sign3A_1280 = arith.constant 0 : i32
      %sign3A_1281 = arith.cmpi sgt, %squeeze3A_1277, %sign3A_1280 : i32
      %sign3A_1282 = arith.extui %sign3A_1281 : i1 to i32
      %sign3A_1283 = arith.constant 0 : i32
      %sign3A_1284 = arith.cmpi slt, %squeeze3A_1277, %sign3A_1283 : i32
      %sign3A_1285 = arith.extui %sign3A_1284 : i1 to i32
      %sign3A_1286 = arith.subi %sign3A_1282, %sign3A_1285 : i32
      %sign3A_1287 = arith.constant 0 : i32
      %sign3A_1288 = arith.cmpi sgt, %jit3A_1278, %sign3A_1287 : i32
      %sign3A_1289 = arith.extui %sign3A_1288 : i1 to i32
      %sign3A_1290 = arith.constant 0 : i32
      %sign3A_1291 = arith.cmpi slt, %jit3A_1278, %sign3A_1290 : i32
      %sign3A_1292 = arith.extui %sign3A_1291 : i1 to i32
      %sign3A_1293 = arith.subi %sign3A_1289, %sign3A_1292 : i32
      %ne3A_1294 = arith.cmpi ne, %sign3A_1286, %sign3A_1293 : i32
      %rem3A_1295 = arith.remsi %squeeze3A_1277, %jit3A_1278 : i32
      %ne3A_1296 = arith.constant 0 : i32
      %ne3A_1297 = arith.cmpi ne, %rem3A_1295, %ne3A_1296 : i32
      %and3A_1298 = arith.andi %ne3A_1294, %ne3A_1297 : i1
      %sub3A_1299 = arith.constant 1 : i32
      %sub3A_1300 = arith.subi %div3A_1279, %sub3A_1299 : i32
      %select_n3A_1301 = arith.select %and3A_1298, %sub3A_1300, %div3A_1279 : i32
      %mul3A_1302 = arith.constant 128 : i32
      %mul3A_1303 = arith.muli %select_n3A_1301, %mul3A_1302 : i32
      %sub3A_1304 = arith.subi %squeeze3A_1275, %mul3A_1303 : i32
      %broadcast_in_dim3A_1305 = vector.broadcast %sub3A_1304 : i32 to vector<16xi32>
      %gather3A_1306 = arith.constant 9 : i32
      %gather3A_1307 = arith.constant 0 : i32
      %gather3A_1308 = arith.constant 0 : i32
      %gather3A_1309 = tpu.memref_slice %arg6[%gather3A_1306, %gather3A_1307, %gather3A_1308] : memref<16x32x128xf32, #tpu.memory_space<vmem>> -> memref<1x32x128xf32, #tpu.memory_space<vmem>>
      %gather3A_1310 = tpu.memref_squeeze %gather3A_1309 : memref<1x32x128xf32, #tpu.memory_space<vmem>> -> memref<32x128xf32, #tpu.memory_space<vmem>>
      %gather3A_1311 = tpu.vector_load_idx %gather3A_1310[%iota3A, %broadcast_in_dim3A_1305] : memref<32x128xf32, #tpu.memory_space<vmem>>[vector<16xi32>, vector<16xi32>], vector<16xf32>,
      %gather3A_1312 = arith.constant 9 : i32
      %gather3A_1313 = arith.constant 0 : i32
      %gather3A_1314 = arith.constant 0 : i32
      %gather3A_1315 = tpu.memref_slice %arg6[%gather3A_1312, %gather3A_1313, %gather3A_1314] : memref<16x32x128xf32, #tpu.memory_space<vmem>> -> memref<1x32x128xf32, #tpu.memory_space<vmem>>
      %gather3A_1316 = tpu.memref_squeeze %gather3A_1315 : memref<1x32x128xf32, #tpu.memory_space<vmem>> -> memref<32x128xf32, #tpu.memory_space<vmem>>
      %gather3A_1317 = tpu.vector_load_idx %gather3A_1316[%add3A_5, %broadcast_in_dim3A_1305] : memref<32x128xf32, #tpu.memory_space<vmem>>[vector<16xi32>, vector<16xi32>], vector<16xf32>,
      %add3A_1318 = arith.constant 9 : i32
      %add3A_1319 = arith.addi %mul3A_15, %add3A_1318 : i32
      %mul3A_1320 = arith.constant 32 : i32
      %mul3A_1321 = arith.muli %add3A_1319, %mul3A_1320 : i32
      %swap3A_1322 = arith.index_cast %mul3A_1321 : i32 to index
      %swap3A_1323 = tpu.vector_load %arg7[%swap3A_1322] {strides = array<i32>} : memref<16384xf32, #tpu.memory_space<vmem>>, vector<16xf32>,
      tpu.vector_store %arg7[%swap3A_1322], %gather3A_1311 {strides = array<i32>} : memref<16384xf32, #tpu.memory_space<vmem>>, vector<16xf32>,
      %add3A_1324 = arith.constant 16 : i32
      %add3A_1325 = arith.addi %mul3A_1321, %add3A_1324 : i32
      %swap3A_1326 = arith.index_cast %add3A_1325 : i32 to index
      %swap3A_1327 = tpu.vector_load %arg7[%swap3A_1326] {strides = array<i32>} : memref<16384xf32, #tpu.memory_space<vmem>>, vector<16xf32>,
      tpu.vector_store %arg7[%swap3A_1326], %gather3A_1317 {strides = array<i32>} : memref<16384xf32, #tpu.memory_space<vmem>>, vector<16xf32>,
      %dma_wait3A_1328 = arith.constant 10 : i32
      %dma_wait3A_1329 = arith.constant 0 : i32
      %dma_wait3A_1330 = arith.constant 0 : i32
      %dma_wait3A_1331 = tpu.memref_slice %arg6[%dma_wait3A_1328, %dma_wait3A_1329, %dma_wait3A_1330] : memref<16x32x128xf32, #tpu.memory_space<vmem>> -> memref<1x32x128xf32, #tpu.memory_space<vmem>>
      %dma_wait3A_1332 = tpu.memref_squeeze %dma_wait3A_1331 : memref<1x32x128xf32, #tpu.memory_space<vmem>> -> memref<32x128xf32, #tpu.memory_space<vmem>>
      %dma_wait3A_1333 = arith.constant 0 : i32
      %dma_wait3A_1334 = tpu.memref_slice %arg3[%dma_wait3A_1333, %mul3A_443] : memref<32x1000001xf32, #tpu.memory_space<hbm>> -> memref<32x128xf32, #tpu.memory_space<hbm>>
      %dma_wait3A_1335 = arith.constant 0 : i32
      %dma_wait3A_1336 = arith.constant 0 : i32
      %dma_wait3A_1337 = tpu.memref_slice %arg6[%dma_wait3A_1328, %dma_wait3A_1335, %dma_wait3A_1336] : memref<16x32x128xf32, #tpu.memory_space<vmem>> -> memref<1x32x128xf32, #tpu.memory_space<vmem>>
      %dma_wait3A_1338 = tpu.memref_squeeze %dma_wait3A_1337 : memref<1x32x128xf32, #tpu.memory_space<vmem>> -> memref<32x128xf32, #tpu.memory_space<vmem>>
      %dma_wait3A_1339 = arith.constant 0 : i32
      %dma_wait3A_1340 = tpu.memref_slice %arg3[%dma_wait3A_1339, %mul3A_443] : memref<32x1000001xf32, #tpu.memory_space<hbm>> -> memref<32x128xf32, #tpu.memory_space<hbm>>
      tpu.wait_dma2 semaphore(%arg8 : memref<!tpu.dma_semaphore, #tpu.memory_space<semaphore_mem>>) src(%dma_wait3A_1340 : memref<32x128xf32, #tpu.memory_space<hbm>>) dst(%dma_wait3A_1338 : memref<32x128xf32, #tpu.memory_space<vmem>>)
      %slice3A_1341 = vector.extract_strided_slice %get3A_16 {offsets = [10], sizes = [1], strides = [1]} : vector<16xi32> to vector<1xi32>
      %squeeze3A_1342 = vector.extract %slice3A_1341[0] : i32 from vector<1xi32>
      %slice3A_1343 = vector.extract_strided_slice %get3A_16 {offsets = [10], sizes = [1], strides = [1]} : vector<16xi32> to vector<1xi32>
      %squeeze3A_1344 = vector.extract %slice3A_1343[0] : i32 from vector<1xi32>
      %jit3A_1345 = arith.constant 128 : i32
      %div3A_1346 = arith.divsi %squeeze3A_1344, %jit3A_1345 : i32
      %sign3A_1347 = arith.constant 0 : i32
      %sign3A_1348 = arith.cmpi sgt, %squeeze3A_1344, %sign3A_1347 : i32
      %sign3A_1349 = arith.extui %sign3A_1348 : i1 to i32
      %sign3A_1350 = arith.constant 0 : i32
      %sign3A_1351 = arith.cmpi slt, %squeeze3A_1344, %sign3A_1350 : i32
      %sign3A_1352 = arith.extui %sign3A_1351 : i1 to i32
      %sign3A_1353 = arith.subi %sign3A_1349, %sign3A_1352 : i32
      %sign3A_1354 = arith.constant 0 : i32
      %sign3A_1355 = arith.cmpi sgt, %jit3A_1345, %sign3A_1354 : i32
      %sign3A_1356 = arith.extui %sign3A_1355 : i1 to i32
      %sign3A_1357 = arith.constant 0 : i32
      %sign3A_1358 = arith.cmpi slt, %jit3A_1345, %sign3A_1357 : i32
      %sign3A_1359 = arith.extui %sign3A_1358 : i1 to i32
      %sign3A_1360 = arith.subi %sign3A_1356, %sign3A_1359 : i32
      %ne3A_1361 = arith.cmpi ne, %sign3A_1353, %sign3A_1360 : i32
      %rem3A_1362 = arith.remsi %squeeze3A_1344, %jit3A_1345 : i32
      %ne3A_1363 = arith.constant 0 : i32
      %ne3A_1364 = arith.cmpi ne, %rem3A_1362, %ne3A_1363 : i32
      %and3A_1365 = arith.andi %ne3A_1361, %ne3A_1364 : i1
      %sub3A_1366 = arith.constant 1 : i32
      %sub3A_1367 = arith.subi %div3A_1346, %sub3A_1366 : i32
      %select_n3A_1368 = arith.select %and3A_1365, %sub3A_1367, %div3A_1346 : i32
      %mul3A_1369 = arith.constant 128 : i32
      %mul3A_1370 = arith.muli %select_n3A_1368, %mul3A_1369 : i32
      %sub3A_1371 = arith.subi %squeeze3A_1342, %mul3A_1370 : i32
      %broadcast_in_dim3A_1372 = vector.broadcast %sub3A_1371 : i32 to vector<16xi32>
      %gather3A_1373 = arith.constant 10 : i32
      %gather3A_1374 = arith.constant 0 : i32
      %gather3A_1375 = arith.constant 0 : i32
      %gather3A_1376 = tpu.memref_slice %arg6[%gather3A_1373, %gather3A_1374, %gather3A_1375] : memref<16x32x128xf32, #tpu.memory_space<vmem>> -> memref<1x32x128xf32, #tpu.memory_space<vmem>>
      %gather3A_1377 = tpu.memref_squeeze %gather3A_1376 : memref<1x32x128xf32, #tpu.memory_space<vmem>> -> memref<32x128xf32, #tpu.memory_space<vmem>>
      %gather3A_1378 = tpu.vector_load_idx %gather3A_1377[%iota3A, %broadcast_in_dim3A_1372] : memref<32x128xf32, #tpu.memory_space<vmem>>[vector<16xi32>, vector<16xi32>], vector<16xf32>,
      %gather3A_1379 = arith.constant 10 : i32
      %gather3A_1380 = arith.constant 0 : i32
      %gather3A_1381 = arith.constant 0 : i32
      %gather3A_1382 = tpu.memref_slice %arg6[%gather3A_1379, %gather3A_1380, %gather3A_1381] : memref<16x32x128xf32, #tpu.memory_space<vmem>> -> memref<1x32x128xf32, #tpu.memory_space<vmem>>
      %gather3A_1383 = tpu.memref_squeeze %gather3A_1382 : memref<1x32x128xf32, #tpu.memory_space<vmem>> -> memref<32x128xf32, #tpu.memory_space<vmem>>
      %gather3A_1384 = tpu.vector_load_idx %gather3A_1383[%add3A_5, %broadcast_in_dim3A_1372] : memref<32x128xf32, #tpu.memory_space<vmem>>[vector<16xi32>, vector<16xi32>], vector<16xf32>,
      %add3A_1385 = arith.constant 10 : i32
      %add3A_1386 = arith.addi %mul3A_15, %add3A_1385 : i32
      %mul3A_1387 = arith.constant 32 : i32
      %mul3A_1388 = arith.muli %add3A_1386, %mul3A_1387 : i32
      %swap3A_1389 = arith.index_cast %mul3A_1388 : i32 to index
      %swap3A_1390 = tpu.vector_load %arg7[%swap3A_1389] {strides = array<i32>} : memref<16384xf32, #tpu.memory_space<vmem>>, vector<16xf32>,
      tpu.vector_store %arg7[%swap3A_1389], %gather3A_1378 {strides = array<i32>} : memref<16384xf32, #tpu.memory_space<vmem>>, vector<16xf32>,
      %add3A_1391 = arith.constant 16 : i32
      %add3A_1392 = arith.addi %mul3A_1388, %add3A_1391 : i32
      %swap3A_1393 = arith.index_cast %add3A_1392 : i32 to index
      %swap3A_1394 = tpu.vector_load %arg7[%swap3A_1393] {strides = array<i32>} : memref<16384xf32, #tpu.memory_space<vmem>>, vector<16xf32>,
      tpu.vector_store %arg7[%swap3A_1393], %gather3A_1384 {strides = array<i32>} : memref<16384xf32, #tpu.memory_space<vmem>>, vector<16xf32>,
      %dma_wait3A_1395 = arith.constant 11 : i32
      %dma_wait3A_1396 = arith.constant 0 : i32
      %dma_wait3A_1397 = arith.constant 0 : i32
      %dma_wait3A_1398 = tpu.memref_slice %arg6[%dma_wait3A_1395, %dma_wait3A_1396, %dma_wait3A_1397] : memref<16x32x128xf32, #tpu.memory_space<vmem>> -> memref<1x32x128xf32, #tpu.memory_space<vmem>>
      %dma_wait3A_1399 = tpu.memref_squeeze %dma_wait3A_1398 : memref<1x32x128xf32, #tpu.memory_space<vmem>> -> memref<32x128xf32, #tpu.memory_space<vmem>>
      %dma_wait3A_1400 = arith.constant 0 : i32
      %dma_wait3A_1401 = tpu.memref_slice %arg3[%dma_wait3A_1400, %mul3A_484] : memref<32x1000001xf32, #tpu.memory_space<hbm>> -> memref<32x128xf32, #tpu.memory_space<hbm>>
      %dma_wait3A_1402 = arith.constant 0 : i32
      %dma_wait3A_1403 = arith.constant 0 : i32
      %dma_wait3A_1404 = tpu.memref_slice %arg6[%dma_wait3A_1395, %dma_wait3A_1402, %dma_wait3A_1403] : memref<16x32x128xf32, #tpu.memory_space<vmem>> -> memref<1x32x128xf32, #tpu.memory_space<vmem>>
      %dma_wait3A_1405 = tpu.memref_squeeze %dma_wait3A_1404 : memref<1x32x128xf32, #tpu.memory_space<vmem>> -> memref<32x128xf32, #tpu.memory_space<vmem>>
      %dma_wait3A_1406 = arith.constant 0 : i32
      %dma_wait3A_1407 = tpu.memref_slice %arg3[%dma_wait3A_1406, %mul3A_484] : memref<32x1000001xf32, #tpu.memory_space<hbm>> -> memref<32x128xf32, #tpu.memory_space<hbm>>
      tpu.wait_dma2 semaphore(%arg8 : memref<!tpu.dma_semaphore, #tpu.memory_space<semaphore_mem>>) src(%dma_wait3A_1407 : memref<32x128xf32, #tpu.memory_space<hbm>>) dst(%dma_wait3A_1405 : memref<32x128xf32, #tpu.memory_space<vmem>>)
      %slice3A_1408 = vector.extract_strided_slice %get3A_16 {offsets = [11], sizes = [1], strides = [1]} : vector<16xi32> to vector<1xi32>
      %squeeze3A_1409 = vector.extract %slice3A_1408[0] : i32 from vector<1xi32>
      %slice3A_1410 = vector.extract_strided_slice %get3A_16 {offsets = [11], sizes = [1], strides = [1]} : vector<16xi32> to vector<1xi32>
      %squeeze3A_1411 = vector.extract %slice3A_1410[0] : i32 from vector<1xi32>
      %jit3A_1412 = arith.constant 128 : i32
      %div3A_1413 = arith.divsi %squeeze3A_1411, %jit3A_1412 : i32
      %sign3A_1414 = arith.constant 0 : i32
      %sign3A_1415 = arith.cmpi sgt, %squeeze3A_1411, %sign3A_1414 : i32
      %sign3A_1416 = arith.extui %sign3A_1415 : i1 to i32
      %sign3A_1417 = arith.constant 0 : i32
      %sign3A_1418 = arith.cmpi slt, %squeeze3A_1411, %sign3A_1417 : i32
      %sign3A_1419 = arith.extui %sign3A_1418 : i1 to i32
      %sign3A_1420 = arith.subi %sign3A_1416, %sign3A_1419 : i32
      %sign3A_1421 = arith.constant 0 : i32
      %sign3A_1422 = arith.cmpi sgt, %jit3A_1412, %sign3A_1421 : i32
      %sign3A_1423 = arith.extui %sign3A_1422 : i1 to i32
      %sign3A_1424 = arith.constant 0 : i32
      %sign3A_1425 = arith.cmpi slt, %jit3A_1412, %sign3A_1424 : i32
      %sign3A_1426 = arith.extui %sign3A_1425 : i1 to i32
      %sign3A_1427 = arith.subi %sign3A_1423, %sign3A_1426 : i32
      %ne3A_1428 = arith.cmpi ne, %sign3A_1420, %sign3A_1427 : i32
      %rem3A_1429 = arith.remsi %squeeze3A_1411, %jit3A_1412 : i32
      %ne3A_1430 = arith.constant 0 : i32
      %ne3A_1431 = arith.cmpi ne, %rem3A_1429, %ne3A_1430 : i32
      %and3A_1432 = arith.andi %ne3A_1428, %ne3A_1431 : i1
      %sub3A_1433 = arith.constant 1 : i32
      %sub3A_1434 = arith.subi %div3A_1413, %sub3A_1433 : i32
      %select_n3A_1435 = arith.select %and3A_1432, %sub3A_1434, %div3A_1413 : i32
      %mul3A_1436 = arith.constant 128 : i32
      %mul3A_1437 = arith.muli %select_n3A_1435, %mul3A_1436 : i32
      %sub3A_1438 = arith.subi %squeeze3A_1409, %mul3A_1437 : i32
      %broadcast_in_dim3A_1439 = vector.broadcast %sub3A_1438 : i32 to vector<16xi32>
      %gather3A_1440 = arith.constant 11 : i32
      %gather3A_1441 = arith.constant 0 : i32
      %gather3A_1442 = arith.constant 0 : i32
      %gather3A_1443 = tpu.memref_slice %arg6[%gather3A_1440, %gather3A_1441, %gather3A_1442] : memref<16x32x128xf32, #tpu.memory_space<vmem>> -> memref<1x32x128xf32, #tpu.memory_space<vmem>>
      %gather3A_1444 = tpu.memref_squeeze %gather3A_1443 : memref<1x32x128xf32, #tpu.memory_space<vmem>> -> memref<32x128xf32, #tpu.memory_space<vmem>>
      %gather3A_1445 = tpu.vector_load_idx %gather3A_1444[%iota3A, %broadcast_in_dim3A_1439] : memref<32x128xf32, #tpu.memory_space<vmem>>[vector<16xi32>, vector<16xi32>], vector<16xf32>,
      %gather3A_1446 = arith.constant 11 : i32
      %gather3A_1447 = arith.constant 0 : i32
      %gather3A_1448 = arith.constant 0 : i32
      %gather3A_1449 = tpu.memref_slice %arg6[%gather3A_1446, %gather3A_1447, %gather3A_1448] : memref<16x32x128xf32, #tpu.memory_space<vmem>> -> memref<1x32x128xf32, #tpu.memory_space<vmem>>
      %gather3A_1450 = tpu.memref_squeeze %gather3A_1449 : memref<1x32x128xf32, #tpu.memory_space<vmem>> -> memref<32x128xf32, #tpu.memory_space<vmem>>
      %gather3A_1451 = tpu.vector_load_idx %gather3A_1450[%add3A_5, %broadcast_in_dim3A_1439] : memref<32x128xf32, #tpu.memory_space<vmem>>[vector<16xi32>, vector<16xi32>], vector<16xf32>,
      %add3A_1452 = arith.constant 11 : i32
      %add3A_1453 = arith.addi %mul3A_15, %add3A_1452 : i32
      %mul3A_1454 = arith.constant 32 : i32
      %mul3A_1455 = arith.muli %add3A_1453, %mul3A_1454 : i32
      %swap3A_1456 = arith.index_cast %mul3A_1455 : i32 to index
      %swap3A_1457 = tpu.vector_load %arg7[%swap3A_1456] {strides = array<i32>} : memref<16384xf32, #tpu.memory_space<vmem>>, vector<16xf32>,
      tpu.vector_store %arg7[%swap3A_1456], %gather3A_1445 {strides = array<i32>} : memref<16384xf32, #tpu.memory_space<vmem>>, vector<16xf32>,
      %add3A_1458 = arith.constant 16 : i32
      %add3A_1459 = arith.addi %mul3A_1455, %add3A_1458 : i32
      %swap3A_1460 = arith.index_cast %add3A_1459 : i32 to index
      %swap3A_1461 = tpu.vector_load %arg7[%swap3A_1460] {strides = array<i32>} : memref<16384xf32, #tpu.memory_space<vmem>>, vector<16xf32>,
      tpu.vector_store %arg7[%swap3A_1460], %gather3A_1451 {strides = array<i32>} : memref<16384xf32, #tpu.memory_space<vmem>>, vector<16xf32>,
      %dma_wait3A_1462 = arith.constant 12 : i32
      %dma_wait3A_1463 = arith.constant 0 : i32
      %dma_wait3A_1464 = arith.constant 0 : i32
      %dma_wait3A_1465 = tpu.memref_slice %arg6[%dma_wait3A_1462, %dma_wait3A_1463, %dma_wait3A_1464] : memref<16x32x128xf32, #tpu.memory_space<vmem>> -> memref<1x32x128xf32, #tpu.memory_space<vmem>>
      %dma_wait3A_1466 = tpu.memref_squeeze %dma_wait3A_1465 : memref<1x32x128xf32, #tpu.memory_space<vmem>> -> memref<32x128xf32, #tpu.memory_space<vmem>>
      %dma_wait3A_1467 = arith.constant 0 : i32
      %dma_wait3A_1468 = tpu.memref_slice %arg3[%dma_wait3A_1467, %mul3A_525] : memref<32x1000001xf32, #tpu.memory_space<hbm>> -> memref<32x128xf32, #tpu.memory_space<hbm>>
      %dma_wait3A_1469 = arith.constant 0 : i32
      %dma_wait3A_1470 = arith.constant 0 : i32
      %dma_wait3A_1471 = tpu.memref_slice %arg6[%dma_wait3A_1462, %dma_wait3A_1469, %dma_wait3A_1470] : memref<16x32x128xf32, #tpu.memory_space<vmem>> -> memref<1x32x128xf32, #tpu.memory_space<vmem>>
      %dma_wait3A_1472 = tpu.memref_squeeze %dma_wait3A_1471 : memref<1x32x128xf32, #tpu.memory_space<vmem>> -> memref<32x128xf32, #tpu.memory_space<vmem>>
      %dma_wait3A_1473 = arith.constant 0 : i32
      %dma_wait3A_1474 = tpu.memref_slice %arg3[%dma_wait3A_1473, %mul3A_525] : memref<32x1000001xf32, #tpu.memory_space<hbm>> -> memref<32x128xf32, #tpu.memory_space<hbm>>
      tpu.wait_dma2 semaphore(%arg8 : memref<!tpu.dma_semaphore, #tpu.memory_space<semaphore_mem>>) src(%dma_wait3A_1474 : memref<32x128xf32, #tpu.memory_space<hbm>>) dst(%dma_wait3A_1472 : memref<32x128xf32, #tpu.memory_space<vmem>>)
      %slice3A_1475 = vector.extract_strided_slice %get3A_16 {offsets = [12], sizes = [1], strides = [1]} : vector<16xi32> to vector<1xi32>
      %squeeze3A_1476 = vector.extract %slice3A_1475[0] : i32 from vector<1xi32>
      %slice3A_1477 = vector.extract_strided_slice %get3A_16 {offsets = [12], sizes = [1], strides = [1]} : vector<16xi32> to vector<1xi32>
      %squeeze3A_1478 = vector.extract %slice3A_1477[0] : i32 from vector<1xi32>
      %jit3A_1479 = arith.constant 128 : i32
      %div3A_1480 = arith.divsi %squeeze3A_1478, %jit3A_1479 : i32
      %sign3A_1481 = arith.constant 0 : i32
      %sign3A_1482 = arith.cmpi sgt, %squeeze3A_1478, %sign3A_1481 : i32
      %sign3A_1483 = arith.extui %sign3A_1482 : i1 to i32
      %sign3A_1484 = arith.constant 0 : i32
      %sign3A_1485 = arith.cmpi slt, %squeeze3A_1478, %sign3A_1484 : i32
      %sign3A_1486 = arith.extui %sign3A_1485 : i1 to i32
      %sign3A_1487 = arith.subi %sign3A_1483, %sign3A_1486 : i32
      %sign3A_1488 = arith.constant 0 : i32
      %sign3A_1489 = arith.cmpi sgt, %jit3A_1479, %sign3A_1488 : i32
      %sign3A_1490 = arith.extui %sign3A_1489 : i1 to i32
      %sign3A_1491 = arith.constant 0 : i32
      %sign3A_1492 = arith.cmpi slt, %jit3A_1479, %sign3A_1491 : i32
      %sign3A_1493 = arith.extui %sign3A_1492 : i1 to i32
      %sign3A_1494 = arith.subi %sign3A_1490, %sign3A_1493 : i32
      %ne3A_1495 = arith.cmpi ne, %sign3A_1487, %sign3A_1494 : i32
      %rem3A_1496 = arith.remsi %squeeze3A_1478, %jit3A_1479 : i32
      %ne3A_1497 = arith.constant 0 : i32
      %ne3A_1498 = arith.cmpi ne, %rem3A_1496, %ne3A_1497 : i32
      %and3A_1499 = arith.andi %ne3A_1495, %ne3A_1498 : i1
      %sub3A_1500 = arith.constant 1 : i32
      %sub3A_1501 = arith.subi %div3A_1480, %sub3A_1500 : i32
      %select_n3A_1502 = arith.select %and3A_1499, %sub3A_1501, %div3A_1480 : i32
      %mul3A_1503 = arith.constant 128 : i32
      %mul3A_1504 = arith.muli %select_n3A_1502, %mul3A_1503 : i32
      %sub3A_1505 = arith.subi %squeeze3A_1476, %mul3A_1504 : i32
      %broadcast_in_dim3A_1506 = vector.broadcast %sub3A_1505 : i32 to vector<16xi32>
      %gather3A_1507 = arith.constant 12 : i32
      %gather3A_1508 = arith.constant 0 : i32
      %gather3A_1509 = arith.constant 0 : i32
      %gather3A_1510 = tpu.memref_slice %arg6[%gather3A_1507, %gather3A_1508, %gather3A_1509] : memref<16x32x128xf32, #tpu.memory_space<vmem>> -> memref<1x32x128xf32, #tpu.memory_space<vmem>>
      %gather3A_1511 = tpu.memref_squeeze %gather3A_1510 : memref<1x32x128xf32, #tpu.memory_space<vmem>> -> memref<32x128xf32, #tpu.memory_space<vmem>>
      %gather3A_1512 = tpu.vector_load_idx %gather3A_1511[%iota3A, %broadcast_in_dim3A_1506] : memref<32x128xf32, #tpu.memory_space<vmem>>[vector<16xi32>, vector<16xi32>], vector<16xf32>,
      %gather3A_1513 = arith.constant 12 : i32
      %gather3A_1514 = arith.constant 0 : i32
      %gather3A_1515 = arith.constant 0 : i32
      %gather3A_1516 = tpu.memref_slice %arg6[%gather3A_1513, %gather3A_1514, %gather3A_1515] : memref<16x32x128xf32, #tpu.memory_space<vmem>> -> memref<1x32x128xf32, #tpu.memory_space<vmem>>
      %gather3A_1517 = tpu.memref_squeeze %gather3A_1516 : memref<1x32x128xf32, #tpu.memory_space<vmem>> -> memref<32x128xf32, #tpu.memory_space<vmem>>
      %gather3A_1518 = tpu.vector_load_idx %gather3A_1517[%add3A_5, %broadcast_in_dim3A_1506] : memref<32x128xf32, #tpu.memory_space<vmem>>[vector<16xi32>, vector<16xi32>], vector<16xf32>,
      %add3A_1519 = arith.constant 12 : i32
      %add3A_1520 = arith.addi %mul3A_15, %add3A_1519 : i32
      %mul3A_1521 = arith.constant 32 : i32
      %mul3A_1522 = arith.muli %add3A_1520, %mul3A_1521 : i32
      %swap3A_1523 = arith.index_cast %mul3A_1522 : i32 to index
      %swap3A_1524 = tpu.vector_load %arg7[%swap3A_1523] {strides = array<i32>} : memref<16384xf32, #tpu.memory_space<vmem>>, vector<16xf32>,
      tpu.vector_store %arg7[%swap3A_1523], %gather3A_1512 {strides = array<i32>} : memref<16384xf32, #tpu.memory_space<vmem>>, vector<16xf32>,
      %add3A_1525 = arith.constant 16 : i32
      %add3A_1526 = arith.addi %mul3A_1522, %add3A_1525 : i32
      %swap3A_1527 = arith.index_cast %add3A_1526 : i32 to index
      %swap3A_1528 = tpu.vector_load %arg7[%swap3A_1527] {strides = array<i32>} : memref<16384xf32, #tpu.memory_space<vmem>>, vector<16xf32>,
      tpu.vector_store %arg7[%swap3A_1527], %gather3A_1518 {strides = array<i32>} : memref<16384xf32, #tpu.memory_space<vmem>>, vector<16xf32>,
      %dma_wait3A_1529 = arith.constant 13 : i32
      %dma_wait3A_1530 = arith.constant 0 : i32
      %dma_wait3A_1531 = arith.constant 0 : i32
      %dma_wait3A_1532 = tpu.memref_slice %arg6[%dma_wait3A_1529, %dma_wait3A_1530, %dma_wait3A_1531] : memref<16x32x128xf32, #tpu.memory_space<vmem>> -> memref<1x32x128xf32, #tpu.memory_space<vmem>>
      %dma_wait3A_1533 = tpu.memref_squeeze %dma_wait3A_1532 : memref<1x32x128xf32, #tpu.memory_space<vmem>> -> memref<32x128xf32, #tpu.memory_space<vmem>>
      %dma_wait3A_1534 = arith.constant 0 : i32
      %dma_wait3A_1535 = tpu.memref_slice %arg3[%dma_wait3A_1534, %mul3A_566] : memref<32x1000001xf32, #tpu.memory_space<hbm>> -> memref<32x128xf32, #tpu.memory_space<hbm>>
      %dma_wait3A_1536 = arith.constant 0 : i32
      %dma_wait3A_1537 = arith.constant 0 : i32
      %dma_wait3A_1538 = tpu.memref_slice %arg6[%dma_wait3A_1529, %dma_wait3A_1536, %dma_wait3A_1537] : memref<16x32x128xf32, #tpu.memory_space<vmem>> -> memref<1x32x128xf32, #tpu.memory_space<vmem>>
      %dma_wait3A_1539 = tpu.memref_squeeze %dma_wait3A_1538 : memref<1x32x128xf32, #tpu.memory_space<vmem>> -> memref<32x128xf32, #tpu.memory_space<vmem>>
      %dma_wait3A_1540 = arith.constant 0 : i32
      %dma_wait3A_1541 = tpu.memref_slice %arg3[%dma_wait3A_1540, %mul3A_566] : memref<32x1000001xf32, #tpu.memory_space<hbm>> -> memref<32x128xf32, #tpu.memory_space<hbm>>
      tpu.wait_dma2 semaphore(%arg8 : memref<!tpu.dma_semaphore, #tpu.memory_space<semaphore_mem>>) src(%dma_wait3A_1541 : memref<32x128xf32, #tpu.memory_space<hbm>>) dst(%dma_wait3A_1539 : memref<32x128xf32, #tpu.memory_space<vmem>>)
      %slice3A_1542 = vector.extract_strided_slice %get3A_16 {offsets = [13], sizes = [1], strides = [1]} : vector<16xi32> to vector<1xi32>
      %squeeze3A_1543 = vector.extract %slice3A_1542[0] : i32 from vector<1xi32>
      %slice3A_1544 = vector.extract_strided_slice %get3A_16 {offsets = [13], sizes = [1], strides = [1]} : vector<16xi32> to vector<1xi32>
      %squeeze3A_1545 = vector.extract %slice3A_1544[0] : i32 from vector<1xi32>
      %jit3A_1546 = arith.constant 128 : i32
      %div3A_1547 = arith.divsi %squeeze3A_1545, %jit3A_1546 : i32
      %sign3A_1548 = arith.constant 0 : i32
      %sign3A_1549 = arith.cmpi sgt, %squeeze3A_1545, %sign3A_1548 : i32
      %sign3A_1550 = arith.extui %sign3A_1549 : i1 to i32
      %sign3A_1551 = arith.constant 0 : i32
      %sign3A_1552 = arith.cmpi slt, %squeeze3A_1545, %sign3A_1551 : i32
      %sign3A_1553 = arith.extui %sign3A_1552 : i1 to i32
      %sign3A_1554 = arith.subi %sign3A_1550, %sign3A_1553 : i32
      %sign3A_1555 = arith.constant 0 : i32
      %sign3A_1556 = arith.cmpi sgt, %jit3A_1546, %sign3A_1555 : i32
      %sign3A_1557 = arith.extui %sign3A_1556 : i1 to i32
      %sign3A_1558 = arith.constant 0 : i32
      %sign3A_1559 = arith.cmpi slt, %jit3A_1546, %sign3A_1558 : i32
      %sign3A_1560 = arith.extui %sign3A_1559 : i1 to i32
      %sign3A_1561 = arith.subi %sign3A_1557, %sign3A_1560 : i32
      %ne3A_1562 = arith.cmpi ne, %sign3A_1554, %sign3A_1561 : i32
      %rem3A_1563 = arith.remsi %squeeze3A_1545, %jit3A_1546 : i32
      %ne3A_1564 = arith.constant 0 : i32
      %ne3A_1565 = arith.cmpi ne, %rem3A_1563, %ne3A_1564 : i32
      %and3A_1566 = arith.andi %ne3A_1562, %ne3A_1565 : i1
      %sub3A_1567 = arith.constant 1 : i32
      %sub3A_1568 = arith.subi %div3A_1547, %sub3A_1567 : i32
      %select_n3A_1569 = arith.select %and3A_1566, %sub3A_1568, %div3A_1547 : i32
      %mul3A_1570 = arith.constant 128 : i32
      %mul3A_1571 = arith.muli %select_n3A_1569, %mul3A_1570 : i32
      %sub3A_1572 = arith.subi %squeeze3A_1543, %mul3A_1571 : i32
      %broadcast_in_dim3A_1573 = vector.broadcast %sub3A_1572 : i32 to vector<16xi32>
      %gather3A_1574 = arith.constant 13 : i32
      %gather3A_1575 = arith.constant 0 : i32
      %gather3A_1576 = arith.constant 0 : i32
      %gather3A_1577 = tpu.memref_slice %arg6[%gather3A_1574, %gather3A_1575, %gather3A_1576] : memref<16x32x128xf32, #tpu.memory_space<vmem>> -> memref<1x32x128xf32, #tpu.memory_space<vmem>>
      %gather3A_1578 = tpu.memref_squeeze %gather3A_1577 : memref<1x32x128xf32, #tpu.memory_space<vmem>> -> memref<32x128xf32, #tpu.memory_space<vmem>>
      %gather3A_1579 = tpu.vector_load_idx %gather3A_1578[%iota3A, %broadcast_in_dim3A_1573] : memref<32x128xf32, #tpu.memory_space<vmem>>[vector<16xi32>, vector<16xi32>], vector<16xf32>,
      %gather3A_1580 = arith.constant 13 : i32
      %gather3A_1581 = arith.constant 0 : i32
      %gather3A_1582 = arith.constant 0 : i32
      %gather3A_1583 = tpu.memref_slice %arg6[%gather3A_1580, %gather3A_1581, %gather3A_1582] : memref<16x32x128xf32, #tpu.memory_space<vmem>> -> memref<1x32x128xf32, #tpu.memory_space<vmem>>
      %gather3A_1584 = tpu.memref_squeeze %gather3A_1583 : memref<1x32x128xf32, #tpu.memory_space<vmem>> -> memref<32x128xf32, #tpu.memory_space<vmem>>
      %gather3A_1585 = tpu.vector_load_idx %gather3A_1584[%add3A_5, %broadcast_in_dim3A_1573] : memref<32x128xf32, #tpu.memory_space<vmem>>[vector<16xi32>, vector<16xi32>], vector<16xf32>,
      %add3A_1586 = arith.constant 13 : i32
      %add3A_1587 = arith.addi %mul3A_15, %add3A_1586 : i32
      %mul3A_1588 = arith.constant 32 : i32
      %mul3A_1589 = arith.muli %add3A_1587, %mul3A_1588 : i32
      %swap3A_1590 = arith.index_cast %mul3A_1589 : i32 to index
      %swap3A_1591 = tpu.vector_load %arg7[%swap3A_1590] {strides = array<i32>} : memref<16384xf32, #tpu.memory_space<vmem>>, vector<16xf32>,
      tpu.vector_store %arg7[%swap3A_1590], %gather3A_1579 {strides = array<i32>} : memref<16384xf32, #tpu.memory_space<vmem>>, vector<16xf32>,
      %add3A_1592 = arith.constant 16 : i32
      %add3A_1593 = arith.addi %mul3A_1589, %add3A_1592 : i32
      %swap3A_1594 = arith.index_cast %add3A_1593 : i32 to index
      %swap3A_1595 = tpu.vector_load %arg7[%swap3A_1594] {strides = array<i32>} : memref<16384xf32, #tpu.memory_space<vmem>>, vector<16xf32>,
      tpu.vector_store %arg7[%swap3A_1594], %gather3A_1585 {strides = array<i32>} : memref<16384xf32, #tpu.memory_space<vmem>>, vector<16xf32>,
      %dma_wait3A_1596 = arith.constant 14 : i32
      %dma_wait3A_1597 = arith.constant 0 : i32
      %dma_wait3A_1598 = arith.constant 0 : i32
      %dma_wait3A_1599 = tpu.memref_slice %arg6[%dma_wait3A_1596, %dma_wait3A_1597, %dma_wait3A_1598] : memref<16x32x128xf32, #tpu.memory_space<vmem>> -> memref<1x32x128xf32, #tpu.memory_space<vmem>>
      %dma_wait3A_1600 = tpu.memref_squeeze %dma_wait3A_1599 : memref<1x32x128xf32, #tpu.memory_space<vmem>> -> memref<32x128xf32, #tpu.memory_space<vmem>>
      %dma_wait3A_1601 = arith.constant 0 : i32
      %dma_wait3A_1602 = tpu.memref_slice %arg3[%dma_wait3A_1601, %mul3A_607] : memref<32x1000001xf32, #tpu.memory_space<hbm>> -> memref<32x128xf32, #tpu.memory_space<hbm>>
      %dma_wait3A_1603 = arith.constant 0 : i32
      %dma_wait3A_1604 = arith.constant 0 : i32
      %dma_wait3A_1605 = tpu.memref_slice %arg6[%dma_wait3A_1596, %dma_wait3A_1603, %dma_wait3A_1604] : memref<16x32x128xf32, #tpu.memory_space<vmem>> -> memref<1x32x128xf32, #tpu.memory_space<vmem>>
      %dma_wait3A_1606 = tpu.memref_squeeze %dma_wait3A_1605 : memref<1x32x128xf32, #tpu.memory_space<vmem>> -> memref<32x128xf32, #tpu.memory_space<vmem>>
      %dma_wait3A_1607 = arith.constant 0 : i32
      %dma_wait3A_1608 = tpu.memref_slice %arg3[%dma_wait3A_1607, %mul3A_607] : memref<32x1000001xf32, #tpu.memory_space<hbm>> -> memref<32x128xf32, #tpu.memory_space<hbm>>
      tpu.wait_dma2 semaphore(%arg8 : memref<!tpu.dma_semaphore, #tpu.memory_space<semaphore_mem>>) src(%dma_wait3A_1608 : memref<32x128xf32, #tpu.memory_space<hbm>>) dst(%dma_wait3A_1606 : memref<32x128xf32, #tpu.memory_space<vmem>>)
      %slice3A_1609 = vector.extract_strided_slice %get3A_16 {offsets = [14], sizes = [1], strides = [1]} : vector<16xi32> to vector<1xi32>
      %squeeze3A_1610 = vector.extract %slice3A_1609[0] : i32 from vector<1xi32>
      %slice3A_1611 = vector.extract_strided_slice %get3A_16 {offsets = [14], sizes = [1], strides = [1]} : vector<16xi32> to vector<1xi32>
      %squeeze3A_1612 = vector.extract %slice3A_1611[0] : i32 from vector<1xi32>
      %jit3A_1613 = arith.constant 128 : i32
      %div3A_1614 = arith.divsi %squeeze3A_1612, %jit3A_1613 : i32
      %sign3A_1615 = arith.constant 0 : i32
      %sign3A_1616 = arith.cmpi sgt, %squeeze3A_1612, %sign3A_1615 : i32
      %sign3A_1617 = arith.extui %sign3A_1616 : i1 to i32
      %sign3A_1618 = arith.constant 0 : i32
      %sign3A_1619 = arith.cmpi slt, %squeeze3A_1612, %sign3A_1618 : i32
      %sign3A_1620 = arith.extui %sign3A_1619 : i1 to i32
      %sign3A_1621 = arith.subi %sign3A_1617, %sign3A_1620 : i32
      %sign3A_1622 = arith.constant 0 : i32
      %sign3A_1623 = arith.cmpi sgt, %jit3A_1613, %sign3A_1622 : i32
      %sign3A_1624 = arith.extui %sign3A_1623 : i1 to i32
      %sign3A_1625 = arith.constant 0 : i32
      %sign3A_1626 = arith.cmpi slt, %jit3A_1613, %sign3A_1625 : i32
      %sign3A_1627 = arith.extui %sign3A_1626 : i1 to i32
      %sign3A_1628 = arith.subi %sign3A_1624, %sign3A_1627 : i32
      %ne3A_1629 = arith.cmpi ne, %sign3A_1621, %sign3A_1628 : i32
      %rem3A_1630 = arith.remsi %squeeze3A_1612, %jit3A_1613 : i32
      %ne3A_1631 = arith.constant 0 : i32
      %ne3A_1632 = arith.cmpi ne, %rem3A_1630, %ne3A_1631 : i32
      %and3A_1633 = arith.andi %ne3A_1629, %ne3A_1632 : i1
      %sub3A_1634 = arith.constant 1 : i32
      %sub3A_1635 = arith.subi %div3A_1614, %sub3A_1634 : i32
      %select_n3A_1636 = arith.select %and3A_1633, %sub3A_1635, %div3A_1614 : i32
      %mul3A_1637 = arith.constant 128 : i32
      %mul3A_1638 = arith.muli %select_n3A_1636, %mul3A_1637 : i32
      %sub3A_1639 = arith.subi %squeeze3A_1610, %mul3A_1638 : i32
      %broadcast_in_dim3A_1640 = vector.broadcast %sub3A_1639 : i32 to vector<16xi32>
      %gather3A_1641 = arith.constant 14 : i32
      %gather3A_1642 = arith.constant 0 : i32
      %gather3A_1643 = arith.constant 0 : i32
      %gather3A_1644 = tpu.memref_slice %arg6[%gather3A_1641, %gather3A_1642, %gather3A_1643] : memref<16x32x128xf32, #tpu.memory_space<vmem>> -> memref<1x32x128xf32, #tpu.memory_space<vmem>>
      %gather3A_1645 = tpu.memref_squeeze %gather3A_1644 : memref<1x32x128xf32, #tpu.memory_space<vmem>> -> memref<32x128xf32, #tpu.memory_space<vmem>>
      %gather3A_1646 = tpu.vector_load_idx %gather3A_1645[%iota3A, %broadcast_in_dim3A_1640] : memref<32x128xf32, #tpu.memory_space<vmem>>[vector<16xi32>, vector<16xi32>], vector<16xf32>,
      %gather3A_1647 = arith.constant 14 : i32
      %gather3A_1648 = arith.constant 0 : i32
      %gather3A_1649 = arith.constant 0 : i32
      %gather3A_1650 = tpu.memref_slice %arg6[%gather3A_1647, %gather3A_1648, %gather3A_1649] : memref<16x32x128xf32, #tpu.memory_space<vmem>> -> memref<1x32x128xf32, #tpu.memory_space<vmem>>
      %gather3A_1651 = tpu.memref_squeeze %gather3A_1650 : memref<1x32x128xf32, #tpu.memory_space<vmem>> -> memref<32x128xf32, #tpu.memory_space<vmem>>
      %gather3A_1652 = tpu.vector_load_idx %gather3A_1651[%add3A_5, %broadcast_in_dim3A_1640] : memref<32x128xf32, #tpu.memory_space<vmem>>[vector<16xi32>, vector<16xi32>], vector<16xf32>,
      %add3A_1653 = arith.constant 14 : i32
      %add3A_1654 = arith.addi %mul3A_15, %add3A_1653 : i32
      %mul3A_1655 = arith.constant 32 : i32
      %mul3A_1656 = arith.muli %add3A_1654, %mul3A_1655 : i32
      %swap3A_1657 = arith.index_cast %mul3A_1656 : i32 to index
      %swap3A_1658 = tpu.vector_load %arg7[%swap3A_1657] {strides = array<i32>} : memref<16384xf32, #tpu.memory_space<vmem>>, vector<16xf32>,
      tpu.vector_store %arg7[%swap3A_1657], %gather3A_1646 {strides = array<i32>} : memref<16384xf32, #tpu.memory_space<vmem>>, vector<16xf32>,
      %add3A_1659 = arith.constant 16 : i32
      %add3A_1660 = arith.addi %mul3A_1656, %add3A_1659 : i32
      %swap3A_1661 = arith.index_cast %add3A_1660 : i32 to index
      %swap3A_1662 = tpu.vector_load %arg7[%swap3A_1661] {strides = array<i32>} : memref<16384xf32, #tpu.memory_space<vmem>>, vector<16xf32>,
      tpu.vector_store %arg7[%swap3A_1661], %gather3A_1652 {strides = array<i32>} : memref<16384xf32, #tpu.memory_space<vmem>>, vector<16xf32>,
      %dma_wait3A_1663 = arith.constant 15 : i32
      %dma_wait3A_1664 = arith.constant 0 : i32
      %dma_wait3A_1665 = arith.constant 0 : i32
      %dma_wait3A_1666 = tpu.memref_slice %arg6[%dma_wait3A_1663, %dma_wait3A_1664, %dma_wait3A_1665] : memref<16x32x128xf32, #tpu.memory_space<vmem>> -> memref<1x32x128xf32, #tpu.memory_space<vmem>>
      %dma_wait3A_1667 = tpu.memref_squeeze %dma_wait3A_1666 : memref<1x32x128xf32, #tpu.memory_space<vmem>> -> memref<32x128xf32, #tpu.memory_space<vmem>>
      %dma_wait3A_1668 = arith.constant 0 : i32
      %dma_wait3A_1669 = tpu.memref_slice %arg3[%dma_wait3A_1668, %mul3A_648] : memref<32x1000001xf32, #tpu.memory_space<hbm>> -> memref<32x128xf32, #tpu.memory_space<hbm>>
      %dma_wait3A_1670 = arith.constant 0 : i32
      %dma_wait3A_1671 = arith.constant 0 : i32
      %dma_wait3A_1672 = tpu.memref_slice %arg6[%dma_wait3A_1663, %dma_wait3A_1670, %dma_wait3A_1671] : memref<16x32x128xf32, #tpu.memory_space<vmem>> -> memref<1x32x128xf32, #tpu.memory_space<vmem>>
      %dma_wait3A_1673 = tpu.memref_squeeze %dma_wait3A_1672 : memref<1x32x128xf32, #tpu.memory_space<vmem>> -> memref<32x128xf32, #tpu.memory_space<vmem>>
      %dma_wait3A_1674 = arith.constant 0 : i32
      %dma_wait3A_1675 = tpu.memref_slice %arg3[%dma_wait3A_1674, %mul3A_648] : memref<32x1000001xf32, #tpu.memory_space<hbm>> -> memref<32x128xf32, #tpu.memory_space<hbm>>
      tpu.wait_dma2 semaphore(%arg8 : memref<!tpu.dma_semaphore, #tpu.memory_space<semaphore_mem>>) src(%dma_wait3A_1675 : memref<32x128xf32, #tpu.memory_space<hbm>>) dst(%dma_wait3A_1673 : memref<32x128xf32, #tpu.memory_space<vmem>>)
      %slice3A_1676 = vector.extract_strided_slice %get3A_16 {offsets = [15], sizes = [1], strides = [1]} : vector<16xi32> to vector<1xi32>
      %squeeze3A_1677 = vector.extract %slice3A_1676[0] : i32 from vector<1xi32>
      %slice3A_1678 = vector.extract_strided_slice %get3A_16 {offsets = [15], sizes = [1], strides = [1]} : vector<16xi32> to vector<1xi32>
      %squeeze3A_1679 = vector.extract %slice3A_1678[0] : i32 from vector<1xi32>
      %jit3A_1680 = arith.constant 128 : i32
      %div3A_1681 = arith.divsi %squeeze3A_1679, %jit3A_1680 : i32
      %sign3A_1682 = arith.constant 0 : i32
      %sign3A_1683 = arith.cmpi sgt, %squeeze3A_1679, %sign3A_1682 : i32
      %sign3A_1684 = arith.extui %sign3A_1683 : i1 to i32
      %sign3A_1685 = arith.constant 0 : i32
      %sign3A_1686 = arith.cmpi slt, %squeeze3A_1679, %sign3A_1685 : i32
      %sign3A_1687 = arith.extui %sign3A_1686 : i1 to i32
      %sign3A_1688 = arith.subi %sign3A_1684, %sign3A_1687 : i32
      %sign3A_1689 = arith.constant 0 : i32
      %sign3A_1690 = arith.cmpi sgt, %jit3A_1680, %sign3A_1689 : i32
      %sign3A_1691 = arith.extui %sign3A_1690 : i1 to i32
      %sign3A_1692 = arith.constant 0 : i32
      %sign3A_1693 = arith.cmpi slt, %jit3A_1680, %sign3A_1692 : i32
      %sign3A_1694 = arith.extui %sign3A_1693 : i1 to i32
      %sign3A_1695 = arith.subi %sign3A_1691, %sign3A_1694 : i32
      %ne3A_1696 = arith.cmpi ne, %sign3A_1688, %sign3A_1695 : i32
      %rem3A_1697 = arith.remsi %squeeze3A_1679, %jit3A_1680 : i32
      %ne3A_1698 = arith.constant 0 : i32
      %ne3A_1699 = arith.cmpi ne, %rem3A_1697, %ne3A_1698 : i32
      %and3A_1700 = arith.andi %ne3A_1696, %ne3A_1699 : i1
      %sub3A_1701 = arith.constant 1 : i32
      %sub3A_1702 = arith.subi %div3A_1681, %sub3A_1701 : i32
      %select_n3A_1703 = arith.select %and3A_1700, %sub3A_1702, %div3A_1681 : i32
      %mul3A_1704 = arith.constant 128 : i32
      %mul3A_1705 = arith.muli %select_n3A_1703, %mul3A_1704 : i32
      %sub3A_1706 = arith.subi %squeeze3A_1677, %mul3A_1705 : i32
      %broadcast_in_dim3A_1707 = vector.broadcast %sub3A_1706 : i32 to vector<16xi32>
      %gather3A_1708 = arith.constant 15 : i32
      %gather3A_1709 = arith.constant 0 : i32
      %gather3A_1710 = arith.constant 0 : i32
      %gather3A_1711 = tpu.memref_slice %arg6[%gather3A_1708, %gather3A_1709, %gather3A_1710] : memref<16x32x128xf32, #tpu.memory_space<vmem>> -> memref<1x32x128xf32, #tpu.memory_space<vmem>>
      %gather3A_1712 = tpu.memref_squeeze %gather3A_1711 : memref<1x32x128xf32, #tpu.memory_space<vmem>> -> memref<32x128xf32, #tpu.memory_space<vmem>>
      %gather3A_1713 = tpu.vector_load_idx %gather3A_1712[%iota3A, %broadcast_in_dim3A_1707] : memref<32x128xf32, #tpu.memory_space<vmem>>[vector<16xi32>, vector<16xi32>], vector<16xf32>,
      %gather3A_1714 = arith.constant 15 : i32
      %gather3A_1715 = arith.constant 0 : i32
      %gather3A_1716 = arith.constant 0 : i32
      %gather3A_1717 = tpu.memref_slice %arg6[%gather3A_1714, %gather3A_1715, %gather3A_1716] : memref<16x32x128xf32, #tpu.memory_space<vmem>> -> memref<1x32x128xf32, #tpu.memory_space<vmem>>
      %gather3A_1718 = tpu.memref_squeeze %gather3A_1717 : memref<1x32x128xf32, #tpu.memory_space<vmem>> -> memref<32x128xf32, #tpu.memory_space<vmem>>
      %gather3A_1719 = tpu.vector_load_idx %gather3A_1718[%add3A_5, %broadcast_in_dim3A_1707] : memref<32x128xf32, #tpu.memory_space<vmem>>[vector<16xi32>, vector<16xi32>], vector<16xf32>,
      %add3A_1720 = arith.constant 15 : i32
      %add3A_1721 = arith.addi %mul3A_15, %add3A_1720 : i32
      %mul3A_1722 = arith.constant 32 : i32
      %mul3A_1723 = arith.muli %add3A_1721, %mul3A_1722 : i32
      %swap3A_1724 = arith.index_cast %mul3A_1723 : i32 to index
      %swap3A_1725 = tpu.vector_load %arg7[%swap3A_1724] {strides = array<i32>} : memref<16384xf32, #tpu.memory_space<vmem>>, vector<16xf32>,
      tpu.vector_store %arg7[%swap3A_1724], %gather3A_1713 {strides = array<i32>} : memref<16384xf32, #tpu.memory_space<vmem>>, vector<16xf32>,
      %add3A_1726 = arith.constant 16 : i32
      %add3A_1727 = arith.addi %mul3A_1723, %add3A_1726 : i32
      %swap3A_1728 = arith.index_cast %add3A_1727 : i32 to index
      %swap3A_1729 = tpu.vector_load %arg7[%swap3A_1728] {strides = array<i32>} : memref<16384xf32, #tpu.memory_space<vmem>>, vector<16xf32>,
      tpu.vector_store %arg7[%swap3A_1728], %gather3A_1719 {strides = array<i32>} : memref<16384xf32, #tpu.memory_space<vmem>>, vector<16xf32>,
    }
    %scan3A_10 = arith.constant 32 : i32
    %mul3A_11 = arith.constant 32 : i32
    %mul3A_12 = arith.muli %mul3A_2, %mul3A_11 : i32
    "tpu.region"() ({
      %run_scoped3A = tpu.sem_alloc : memref<!tpu.dma_semaphore, #tpu.memory_space<semaphore_mem>>
      %dma_start3A = tpu.memref_slice %arg4[%mul3A_12] : memref<524288xf32, #tpu.memory_space<hbm>> -> memref<16384xf32, #tpu.memory_space<hbm>>
      %dma_start3A_13 = tpu.memref_slice %arg4[%mul3A_12] : memref<524288xf32, #tpu.memory_space<hbm>> -> memref<16384xf32, #tpu.memory_space<hbm>>
      tpu.enqueue_dma source(%arg7 : memref<16384xf32, #tpu.memory_space<vmem>>) target(%dma_start3A_13 : memref<16384xf32, #tpu.memory_space<hbm>>) target_semaphore(%run_scoped3A : memref<!tpu.dma_semaphore, #tpu.memory_space<semaphore_mem>>)
      %dma_wait3A = tpu.memref_slice %arg4[%mul3A_12] : memref<524288xf32, #tpu.memory_space<hbm>> -> memref<16384xf32, #tpu.memory_space<hbm>>
      %dma_wait3A_14 = tpu.memref_slice %arg4[%mul3A_12] : memref<524288xf32, #tpu.memory_space<hbm>> -> memref<16384xf32, #tpu.memory_space<hbm>>
      tpu.wait_dma2 semaphore(%run_scoped3A : memref<!tpu.dma_semaphore, #tpu.memory_space<semaphore_mem>>) src(%arg7 : memref<16384xf32, #tpu.memory_space<vmem>>) dst(%dma_wait3A_14 : memref<16384xf32, #tpu.memory_space<hbm>>)
      tpu.yield
    }) : () -> ()
    return
  }
}

</mosaic_0001>

<sc_bundles>
// kernel: kernel.3.cloned.1.call-start
scs
__scs_entry_jumppad:
0x0: {  	(pc) =	sbr.rel $0x88, $3  }
0x1: {  	(tag) =	ssettag $0x0;
	lr =	simm.s32 $0x1  }
0x2: {  	[smem:$0x3F9E] =	sst lr;
	_ =	strace $0xD0000000  }
0x3: {  	_ = 	snop  }
0x4: {  	_ = 	snop  }
0x5: {  	_ = 	snop  }
0x6: {  	_ = 	snop  }
0x7: {  	_ = 	snop  }
__scs_overlays_trampoline_lowered:
0x8: {  	[smem:$0x3FAD] =	sst s0  }
0x9: {  	[smem:$0x3FAE] =	sst s1  }
0xa: {  	[smem:$0x3FAF] =	sst s2  }
0xb: {  	[smem:$0x3FB0] =	sst s3  }
0xc: {  	[smem:$0x3FB1] =	sst s4  }
0xd: {  	[smem:$0x3FB2] =	sst s5  }
0xe: {  	[smem:$0x3FB3] =	sst s6  }
0xf: {  	[smem:$0x3FB4] =	sst s7  }
0x10: {  	[smem:$0x3FB5] =	sst s8  }
0x11: {  	[smem:$0x3FB6] =	sst s9;
	s0 =	simm.s32 @!p0 $0x0  }
0x12: {  	s1 =	sld [smem:$0x3F9C];
	s0 =	simm.s32 @p0 $0x1  }
0x13: {  	[smem:$0x3FB7] =	sst s0;
	s0 =	simm.s32 @!p1 $0x0  }
0x14: {  	s2 =	sld [smem:$0x3F9B];
	s0 =	simm.s32 @p1 $0x1  }
0x15: {  	[smem:$0x3FB8] =	sst s0;
	s0 =	simm.s32 @!p2 $0x0  }
0x16: {  	s3 =	sld [smem:$0x3FDB];
	s0 =	simm.s32 @p2 $0x1  }
0x17: {  	s4 =	simm.s32 $0x1BF5;
	[smem:$0x3FBA] =	sst s0  }
0x18: {  	s0 =	sld [smem:$0x3F9D];
	_ =	swait.ge [sflag:s4], $0x0  }
0x19: {  	s7 =	sld [smem:$0x3F9E]  }
0x1a: {  	s8 =	sadd.s32 $0xFFFFE003, lr  }
0x1b: {  	s9 =	sadd.s32 $0xFFFFFEF7, lr;
	s5 =	simm.s32 $0xFFFFFFFF;
	p2 =	slt.u32 s8, $0xFFFFF086  }
0x1c: {  	p1 =	slt.u32 s9, $0xF7A;
	s5 =	simm.s32 @!p2 $0x0  }
0x1d: {  	s5 =	simm.s32 @p1 $0x1;
	p0 =	seq.s32 s7, s2  }
0x1e: {  	s7 =	smul.u32 @!p0 $0xF7A, s2;
	p2 =	seq.s32 @!p0 s5, $0x0  }
0x1f: {  	s9 =	smul.u32 $0xF7A, s1;
	s8 =	simm.s32 @!p0 $0x1BF5;
	p2 =	por !p2, p0  }
0x20: {  	[sflag:s8] =	ssyncset.s32 @!p0 $0xFFFFF086;
	s6 =	sadd.s32 @!p0 s3, s7;
	s7 =	simm.s32 @!p0 $0x108  }
0x21: {  	s3 =	sadd.s32 s3, s9;
	s6 =	sadd.s32 @!p0 $0x88, s6;
	s7 =	simm.s32 @p2 $0x1082  }
0x22: {  	[simem:s7], [sflag:s8] =	dma.local @!p0 [hbm:s6], $0xF7A  }
0x23: {  	s9 =	sor.u32 $0xD0000000, s2;
	s6 =	simm.s32 $0x108;
	_ =	swait.ge @!p0 [sflag:s8], $0x0  }
0x24: {  	s3 =	sadd.s32 $0x88, s3;
	s6 =	simm.s32 @!p1 $0x1082;
	[sflag:s4] =	ssyncset.s32 $0xFFFFF086  }
0x25: {  	[simem:s6], [sflag:s4] =	dma.local [hbm:s3], $0xF7A  }
0x26: {  	[smem:$0x3F9E] =	sst s1;
	(tag) =	ssettag s2;
	_ =	strace s9  }
0x27: {  	s1 =	sld [smem:$0x3FAE]  }
0x28: {  	s2 =	sld [smem:$0x3FAF]  }
0x29: {  	s4 =	sld [smem:$0x3FB1]  }
0x2a: {  	p0 =	seq.s32 s5, $0x0;
	s5 =	sld [smem:$0x3FB2]  }
0x2b: {  	s6 =	sld [smem:$0x3FB3]  }
0x2c: {  	s7 =	sld [smem:$0x3FB4]  }
0x2d: {  	s3 =	simm.s32 $0x108;
	s8 =	sld [smem:$0x3FB5]  }
0x2e: {  	s3 =	simm.s32 @!p0 $0x1082;
	s9 =	sld [smem:$0x3FB6]  }
0x2f: {  	lr =	sadd.s32 s0, s3;
	s0 =	sld [smem:$0x3FAD]  }
0x30: {  	s3 =	sld [smem:$0x3FB0]  }
0x31: {  	[smem:$0x3FB9] =	sst s10  }
0x32: {  	s10 =	sld [smem:$0x3FB7];
	_ =	sdelay $0x3  }
0x33: {  	p0 =	seq.s32 s10, $0x1;
	s10 =	sld [smem:$0x3FB9];
	_ =	sdelay $0x3  }
0x34: {  	[smem:$0x3FB9] =	sst s10  }
0x35: {  	s10 =	sld [smem:$0x3FB8];
	_ =	sdelay $0x3  }
0x36: {  	p1 =	seq.s32 s10, $0x1;
	s10 =	sld [smem:$0x3FB9];
	_ =	sdelay $0x3  }
0x37: {  	[smem:$0x3FB9] =	sst s10  }
0x38: {  	s10 =	sld [smem:$0x3FBA]  }
0x39: {  	_ = 	snop;
	(pc) =	sbr.ind lr, $3  }
0x3a: {  	_ = 	snop  }
0x3b: {  	_ = 	snop  }
0x3c: {  	p2 =	seq.s32 s10, $0x1;
	s10 =	sld [smem:$0x3FB9]  }
0x3d: {  	_ =	shalt  }
0x3e: {  	_ =	shalt  }
0x3f: {  	_ =	shalt  }
0x40: {  	_ =	shalt  }
0x41: {  	_ =	shalt  }
0x42: {  	_ =	shalt  }
0x43: {  	_ =	shalt  }
0x44: {  	_ =	shalt  }
0x45: {  	_ =	shalt  }
0x46: {  	_ =	shalt  }
0x47: {  	_ =	shalt  }
0x48: {  	_ =	shalt  }
0x49: {  	_ =	shalt  }
0x4a: {  	_ =	shalt  }
0x4b: {  	_ =	shalt  }
0x4c: {  	_ =	shalt  }
0x4d: {  	_ =	shalt  }
0x4e: {  	_ =	shalt  }
0x4f: {  	_ =	shalt  }
0x50: {  	_ =	shalt  }
0x51: {  	_ =	shalt  }
0x52: {  	_ =	shalt  }
0x53: {  	_ =	shalt  }
0x54: {  	_ =	shalt  }
0x55: {  	_ =	shalt  }
0x56: {  	_ =	shalt  }
0x57: {  	_ =	shalt  }
0x58: {  	_ =	shalt  }
0x59: {  	_ =	shalt  }
0x5a: {  	_ =	shalt  }
0x5b: {  	_ =	shalt  }
0x5c: {  	_ =	shalt  }
0x5d: {  	_ =	shalt  }
0x5e: {  	_ =	shalt  }
0x5f: {  	_ =	shalt  }
0x60: {  	_ =	shalt  }
0x61: {  	_ =	shalt  }
0x62: {  	_ =	shalt  }
0x63: {  	_ =	shalt  }
0x64: {  	_ =	shalt  }
0x65: {  	_ =	shalt  }
0x66: {  	_ =	shalt  }
0x67: {  	_ =	shalt  }
0x68: {  	_ =	shalt  }
0x69: {  	_ =	shalt  }
0x6a: {  	_ =	shalt  }
0x6b: {  	_ =	shalt  }
0x6c: {  	_ =	shalt  }
0x6d: {  	_ =	shalt  }
0x6e: {  	_ =	shalt  }
0x6f: {  	_ =	shalt  }
0x70: {  	_ =	shalt  }
0x71: {  	_ =	shalt  }
0x72: {  	_ =	shalt  }
0x73: {  	_ =	shalt  }
0x74: {  	_ =	shalt  }
0x75: {  	_ =	shalt  }
0x76: {  	_ =	shalt  }
0x77: {  	_ =	shalt  }
0x78: {  	_ =	shalt  }
0x79: {  	_ =	shalt  }
0x7a: {  	_ =	shalt  }
0x7b: {  	_ =	shalt  }
0x7c: {  	_ =	shalt  }
0x7d: {  	_ =	shalt  }
0x7e: {  	_ =	shalt  }
0x7f: {  	_ =	shalt  }
0x80: {  	_ =	shalt  }
0x81: {  	_ =	shalt  }
0x82: {  	_ =	shalt  }
0x83: {  	_ =	shalt  }
0x84: {  	_ =	shalt  }
0x85: {  	_ =	shalt  }
0x86: {  	_ =	shalt  }
0x87: {  	_ =	shalt  }
.Lfunc_end0:
.L_simem_size_0:
called_computation_lowered:
.L_overlay_start_0:
0x88: {  	s2 =	sld [smem:$0x3FD9]  }
0x89: {  	s3 =	sld [smem:$0x3FFE];
	_ =	sdelay $0x1  }
0x8a: {  	s1 =	srdreg.scid  }
0x8b: {  	s0 =	sand.u32 $0x1, s1  }
0x8c: {  	s17 =	sshll.u32 s0, $0xA;
	s2 =	sadd.s32 s3, s2  }
0x8d: {  	s2 =	sadd.s32 s2, s17  }
0x8e: {  	[smem:$0x3FC5] =	sst s2  }
0x8f: {  	_ = 	snop  }
0x90: {  	s2 =	sld [smem:$0x3FC7]  }
0x91: {  	s18 =	sld [smem:$0x3FD0];
	(tm) =	ssettm $0x1  }
0x92: {  	s4 =	sld [smem:$0x3FFB];
	_ =	sdelay $0x3  }
0x93: {  	_ =	strace s4  }
0x94: {  	s4 =	sld [smem:$0x3FFC];
	_ =	sdelay $0x3  }
0x95: {  	_ =	strace s4  }
0x96: {  	s4 =	sld [smem:$0x3FFD];
	_ =	sdelay $0x3  }
0x97: {  	_ =	strace s4  }
0x98: {  	_ =	strace $0x8FFFFFFF  }
0x99: {  	s19 =	sld [smem:$0x3FDB];
	_ =	sdelay $0x1  }
0x9a: {  	s5 =	simm.s32 $_scs_section_size  }
0x9b: {  	s6 =	simm.s32 $_size__tile_overlayer_lowered;
	s7 =	simm.s32 $_tile_overlayer_lowered  }
0x9c: {  	s22 =	simm.s32 $0x1BFF;
	s21 =	sshll.u32 s7, $0x1;
	s4 =	sadd.s32 s5, s19  }
0x9d: {  	s8 =	simm.s32 $0x0;
	s20 =	sshll.u32 s6, $0x1;
	s6 =	sadd.s32 s21, s4  }
0x9e: {  	[timem:s8], [sflag:s22] =	dma.local [hbm:s6], s20  }
0x9f: {  	_ =	swait.ge [sflag:s22], s20  }
0xa0: {  	s5 =	ssub.s32 $0x0, s20;
	[sflag:s22] =	ssyncset.done $0x0  }
0xa1: {  	[sflag:s22] =	ssyncadd.s32 s5;
	_ =	sdelay $0x1  }
0xa2: {  	s23 =	simm.s32 $0x1B8B  }
0xa3: {  	_ =	swait.ge [sflag:s23], $0x1  }
0xa4: {  	[sflag:s23] =	ssyncset.done $0x0  }
0xa5: {  	s25 =	simm.s32 $0x1B8E;
	s24 =	sld [smem:$0x3FFE];
	[sflag:s23] =	ssyncadd.s32 $0xFFFFFFFF  }
0xa6: {  	s26 =	simm.s32 $execute0_lowered;
	[smem:$0x3FD2] =	sst s25  }
0xa7: {  	s6 =	sshll.u32 s26, $0x1;
	_ =	strace $0x80000046;
	[dreg:$0x1] =	wrdreg $0xFFFFFFFF  }
0xa8: {  	s28 =	simm.s32 $_size_execute0_lowered;
	s4 =	sadd.s32 s4, s6;
	[dreg:$0x0] =	wrdreg $0x0  }
0xa9: {  	s6 =	sshll.u32 s28, $0x1;
	[dreg:$0x2] =	wrdreg s4  }
0xaa: {  	[dreg:$0x3] =	wrdreg s6  }
0xab: {  	[dreg:$0x4] =	wrdreg $0xC0  }
0xac: {  	_ =	task [dreg:s8], $0x5FFFF  }
0xad: {  	[dreg:$0x1] =	wrdreg $0xFFFFFFFF  }
0xae: {  	[dreg:$0x0] =	wrdreg $0x60  }
0xaf: {  	[dreg:$0x2] =	wrdreg s24  }
0xb0: {  	[dreg:$0x3] =	wrdreg s2  }
0xb1: {  	[dreg:$0x4] =	wrdreg s18  }
0xb2: {  	[dreg:$0x5] =	wrdreg $0x9  }
0xb3: {  	_ =	task.clear_ibuf [dreg:s8], $0x6FFFF;
	_ =	strace $0x90000046  }
0xb4: {  	s29 =	simm.s32 $0x9;
	_ =	strace $0x80000048  }
0xb5: {  	_ =	swait.ge [sflag:s29], $0x1  }
0xb6: {  	[sflag:s29] =	ssyncadd.s32 $0xFFFFFFFF  }
0xb7: {  	_ =	strace $0x90000048  }
0xb8: {  	_ =	sfence  }
0xb9: {  	s30 =	sld [smem:$0x0];
	_ =	sdelay $0x2  }
0xba: {  	s31 =	sshll.u32 s1, $0xD;
	s1 =	sshrl.u32 s1, $0x2  }
0xbb: {  	s3 =	sand.u32 $0x4000, s31;
	s1 =	sadd.s32 s1, s30  }
0xbc: {  	s0 =	sor.u32 s3, s0;
	s1 =	sshll.u32 s1, $0x11  }
0xbd: {  	s0 =	sor.u32 s1, s0  }
0xbe: {  	s0 =	sadd.s32 $0x8F2B, s0  }
0xbf: {  	[sflag:s0] =	ssyncadd.remote.s32 $0x1  }
0xc0: {  	_ =	sfence.sel $0xFFFF  }
0xc1: {  	[dreg:$0x0] =	wrdreg $0xFFFFFFFF;
	(pc) =	sbr.abs _section_cstart, $3  }
0xc2: {  	[dreg:$0x1] =	wrdreg $0xFFFFFFFF  }
0xc3: {  	_ =	task.clear_ibuf [dreg:s8], $0x2FFFF;
	_ =	strace $0x9FFFFFFF  }
0xc4: {  	(tm) =	ssettm $0x7FFFFFFF  }
0xc5: {  	_ =	shalt  }
tec
execute0_lowered:
.L_overlay_start_1:
0x0: {  	(tag) =	ssettag $0x1  }
0x1: {  	s0 =	rddreg [dreg:$0x0]  }
0x2: {  	s18 =	rddreg [dreg:$0x1];
	s1 =	srdreg.scid  }
0x3: {  	s3 =	stileid.u32;
	s2 =	rddreg [dreg:$0x2];
	s5 =	simm.s32 $0x0  }
0x4: {  	s8 =	simm.s32 $0x1;
	s1 =	sand.u32 $0x1, s1;
	s3 =	sshll.u32 s3, $0x1  }
0x5: {  	s9 =	simm.s32 $0x400;
	s10 =	simm.s32 $0x7A1400;
	s3 =	sor.u32 s1, s3  }
0x6: {  	s16 =	simm.s32 $0x200;
	s1 =	ssub.s32 $0x2, s1;
	s4 =	sshll.u32 s3, $0x6  }
0x7: {  	[smem:$0x7FF] =	sst s5;
	s29 =	sshrl.u32 s1, $0x1;
	s0 =	sadd.s32 s4, s0  }
0x8: {  	v0 =	vlaneseq.u32;
	_ =	strace $0x80000047;
	s1 =	ssub.s32 s1, s29;
	s0 =	sadd.s32 $0x400, s0  }
0x9: {  	v0 =	vmul.u32 $0x80, v0;
	s30 =	sshll.u32 s3, $0xB;
	s31 =	smax.u32 s1, $0x1;
	[dreg:$0x4] =	wrdreg s0  }
0xa: {  	s4 =	simm.s32 $0x1200;
	s0 =	sadd.s32 s2, s30;
	[dreg:$0x6] =	wrdreg s31  }
0xb: {  	v1 =	vor.u32 $0x800, v0;
	s1 =	simm.s32 $0x2;
	s2 =	simm.s32 $0x0;
	[dreg:$0x5] =	wrdreg s0  }
.LBB2_1:
0xc: {  	[dreg:$0x7] =	wrdreg s2  }
0xd: {  	s0 =	rddreg [dreg:$0x4]  }
0xe: {  	[tilespmem:s5], [sflag:$0x2] =	stream.linear.gather [hbm4b:s0+s5], $0x200, $0x38;
	[tilespmem:$0x14200] =	vst v63  }
0xf: {  	_ =	swait.ge [sflag:s1], $0x200  }
0x10: {  	[sflag:s1] =	ssyncset.done $0x0  }
0x11: {  	s30 =	simm.s32 $0x10300;
	s31 =	simm.s32 $0x0;
	[sflag:s1] =	ssyncadd.s32 $0xFFFFFE00  }
.LBB2_2:
0x12: {  	s0 =	sshra.s32 s31, $0x2  }
0x13: {  	v2 =	vld [tilespmem:s0+$0x0];
	_ =	sdelay $0x4  }
0x14: {  	(v2sf) =	vpush v2, $0x0;
	_ =	sdelay $0xa  }
0x15: {  	(v2sf) =	vpush v2, $0x1;
	_ =	sdelay $0x3  }
0x16: {  	s1 =	spop (v2sf)  }
0x17: {  	s24 =	sand.u32 $0x7F, s1  }
0x18: {  	s2 =	sshra.s32 s1, $0x1F;
	p0 =	slt.s32 s1, $0x1;
	p1 =	sne.s32 s24, $0x0  }
0x19: {  	s25 =	sshrl.u32 s2, $0x19;
	p0 =	por !p0, !p1  }
0x1a: {  	s2 =	simm.s32 $0x1;
	s0 =	sadd.s32 s25, s1;
	p0 =	por !p0, !p0  }
0x1b: {  	(v2sf) =	vpush v2, $0x2;
	s0 =	sshrl.u32 s0, $0x7;
	s2 =	simm.s32 @!p0 $0x0  }
0x1c: {  	s0 =	ssub.s32 s0, s2  }
0x1d: {  	s20 =	sshll.u32 s0, $0x7  }
0x1e: {  	s0 =	sand.u32 $0x1FFFFF80, s20  }
0x1f: {  	s0 =	sadd.s32 s18, s0  }
0x20: {  	[tilespmem:s16], [sflag:$0x1] =	stream.strided.gather [hbm4b:s0+s9], $0x1000, s10, s9, $0x38;
	[tilespmem:$0x14200] =	vst v63  }
0x21: {  	s0 =	spop (v2sf)  }
0x22: {  	s26 =	sand.u32 $0x7F, s0  }
0x23: {  	s3 =	sshra.s32 s0, $0x1F;
	p1 =	slt.s32 s0, $0x1;
	p2 =	sne.s32 s26, $0x0  }
0x24: {  	s3 =	sshrl.u32 s3, $0x19;
	p0 =	por !p1, !p2  }
0x25: {  	s2 =	sadd.s32 s3, s0;
	s3 =	simm.s32 $0x1;
	p0 =	por !p0, !p0  }
0x26: {  	s2 =	sshrl.u32 s2, $0x7;
	s3 =	simm.s32 @!p0 $0x0  }
0x27: {  	(v2sf) =	vpush v2, $0x3;
	s2 =	ssub.s32 s2, s3  }
0x28: {  	s2 =	sshll.u32 s2, $0x7  }
0x29: {  	[dreg:$0x8] =	wrdreg s2;
	s2 =	sand.u32 $0x1FFFFF80, s2  }
0x2a: {  	s3 =	spop (v2sf);
	s2 =	sadd.s32 s18, s2  }
0x2b: {  	[tilespmem:s4], [sflag:$0x1] =	stream.strided.gather [hbm4b:s2+s9], $0x1000, s10, s9, $0x38;
	[tilespmem:$0x14200] =	vst v63  }
0x2c: {  	s4 =	sand.u32 $0x7F, s3  }
0x2d: {  	(v2sf) =	vpush v2, $0x4;
	s7 =	sshra.s32 s3, $0x1F;
	p3 =	slt.s32 s3, $0x1;
	p4 =	sne.s32 s4, $0x0  }
0x2e: {  	s13 =	sshrl.u32 s7, $0x19;
	p0 =	por !p3, !p4  }
0x2f: {  	s2 =	sadd.s32 s13, s3;
	s4 =	simm.s32 $0x1;
	p0 =	por !p0, !p0  }
0x30: {  	s2 =	sshrl.u32 s2, $0x7;
	s4 =	simm.s32 @!p0 $0x0  }
0x31: {  	s2 =	ssub.s32 s2, s4  }
0x32: {  	s2 =	sshll.u32 s2, $0x7  }
0x33: {  	[dreg:$0x9] =	wrdreg s2;
	s2 =	sand.u32 $0x1FFFFF80, s2  }
0x34: {  	s5 =	simm.s32 $0x2200;
	s2 =	sadd.s32 s18, s2  }
0x35: {  	[tilespmem:s5], [sflag:$0x1] =	stream.strided.gather [hbm4b:s2+s9], $0x1000, s10, s9, $0x38;
	[tilespmem:$0x14200] =	vst v63  }
0x36: {  	s5 =	spop (v2sf)  }
0x37: {  	s15 =	sand.u32 $0x7F, s5  }
0x38: {  	s17 =	sshra.s32 s5, $0x1F;
	p5 =	slt.s32 s5, $0x1;
	p6 =	sne.s32 s15, $0x0  }
0x39: {  	s22 =	sshrl.u32 s17, $0x19;
	p0 =	por !p5, !p6  }
0x3a: {  	s4 =	simm.s32 $0x1;
	(v2sf) =	vpush v2, $0x5;
	s2 =	sadd.s32 s22, s5;
	p0 =	por !p0, !p0  }
0x3b: {  	s2 =	sshrl.u32 s2, $0x7;
	s4 =	simm.s32 @!p0 $0x0  }
0x3c: {  	s7 =	spop (v2sf);
	s2 =	ssub.s32 s2, s4  }
0x3d: {  	s6 =	simm.s32 $0x3200;
	s24 =	sand.u32 $0x7F, s7;
	s2 =	sshll.u32 s2, $0x7  }
0x3e: {  	s26 =	sshra.s32 s7, $0x1F;
	[dreg:$0xa] =	wrdreg s2;
	s2 =	sand.u32 $0x1FFFFF80, s2  }
0x3f: {  	(v2sf) =	vpush v2, $0x6;
	p1 =	slt.s32 s7, $0x1;
	p2 =	sne.s32 s24, $0x0;
	s2 =	sadd.s32 s18, s2  }
0x40: {  	[tilespmem:s6], [sflag:$0x1] =	stream.strided.gather [hbm4b:s2+s9], $0x1000, s10, s9, $0x38;
	[tilespmem:$0x14200] =	vst v63  }
0x41: {  	p0 =	por !p1, !p2;
	s6 =	sshrl.u32 s26, $0x19  }
0x42: {  	p0 =	por !p0, !p0;
	s4 =	simm.s32 $0x1;
	s2 =	sadd.s32 s6, s7  }
0x43: {  	s4 =	simm.s32 @!p0 $0x0;
	s2 =	sshrl.u32 s2, $0x7  }
0x44: {  	s2 =	ssub.s32 s2, s4  }
0x45: {  	s2 =	sshll.u32 s2, $0x7  }
0x46: {  	[dreg:$0xb] =	wrdreg s2;
	s2 =	sand.u32 $0x1FFFFF80, s2  }
0x47: {  	s11 =	simm.s32 $0x4200;
	s2 =	sadd.s32 s18, s2  }
0x48: {  	[tilespmem:s11], [sflag:$0x1] =	stream.strided.gather [hbm4b:s2+s9], $0x1000, s10, s9, $0x38;
	[tilespmem:$0x14200] =	vst v63  }
0x49: {  	s11 =	spop (v2sf)  }
0x4a: {  	(v2sf) =	vpush v2, $0x7;
	s13 =	sand.u32 $0x7F, s11  }
0x4b: {  	s15 =	sshra.s32 s11, $0x1F;
	p3 =	slt.s32 s11, $0x1;
	p4 =	sne.s32 s13, $0x0  }
0x4c: {  	s17 =	sshrl.u32 s15, $0x19;
	p0 =	por !p3, !p4  }
0x4d: {  	s4 =	simm.s32 $0x1;
	s2 =	sadd.s32 s17, s11;
	p0 =	por !p0, !p0  }
0x4e: {  	s13 =	spop (v2sf);
	s2 =	sshrl.u32 s2, $0x7;
	s4 =	simm.s32 @!p0 $0x0  }
0x4f: {  	s12 =	simm.s32 $0x5200;
	s22 =	sand.u32 $0x7F, s13;
	s2 =	ssub.s32 s2, s4  }
0x50: {  	s24 =	sshra.s32 s13, $0x1F;
	p5 =	slt.s32 s13, $0x1;
	s2 =	sshll.u32 s2, $0x7  }
0x51: {  	p6 =	sne.s32 s22, $0x0;
	[dreg:$0xc] =	wrdreg s2;
	s2 =	sand.u32 $0x1FFFFF80, s2  }
0x52: {  	s26 =	sshrl.u32 s24, $0x19;
	p0 =	por !p5, !p6;
	s2 =	sadd.s32 s18, s2  }
0x53: {  	(v2sf) =	vpush v2, $0x8;
	[tilespmem:s12], [sflag:$0x1] =	stream.strided.gather [hbm4b:s2+s9], $0x1000, s10, s9, $0x38;
	[tilespmem:$0x14200] =	vst v63  }
0x54: {  	p0 =	por !p0, !p0;
	s4 =	simm.s32 $0x1;
	s2 =	sadd.s32 s26, s13  }
0x55: {  	s4 =	simm.s32 @!p0 $0x0;
	s2 =	sshrl.u32 s2, $0x7  }
0x56: {  	s2 =	ssub.s32 s2, s4  }
0x57: {  	s2 =	sshll.u32 s2, $0x7  }
0x58: {  	[dreg:$0xd] =	wrdreg s2;
	s2 =	sand.u32 $0x1FFFFF80, s2  }
0x59: {  	s14 =	simm.s32 $0x6200;
	s2 =	sadd.s32 s18, s2;
	s15 =	spop (v2sf)  }
0x5a: {  	[tilespmem:s14], [sflag:$0x1] =	stream.strided.gather [hbm4b:s2+s9], $0x1000, s10, s9, $0x38;
	[tilespmem:$0x14200] =	vst v63  }
0x5b: {  	s4 =	sand.u32 $0x7F, s15  }
0x5c: {  	s6 =	sshra.s32 s15, $0x1F;
	p1 =	slt.s32 s15, $0x1;
	p2 =	sne.s32 s4, $0x0  }
0x5d: {  	s12 =	sshrl.u32 s6, $0x19;
	p0 =	por !p1, !p2  }
0x5e: {  	s4 =	simm.s32 $0x1;
	s2 =	sadd.s32 s12, s15;
	p0 =	por !p0, !p0  }
0x5f: {  	(v2sf) =	vpush v2, $0x9;
	s2 =	sshrl.u32 s2, $0x7;
	s4 =	simm.s32 @!p0 $0x0  }
0x60: {  	s2 =	ssub.s32 s2, s4  }
0x61: {  	s2 =	sshll.u32 s2, $0x7  }
0x62: {  	s17 =	spop (v2sf);
	[dreg:$0xe] =	wrdreg s2;
	s2 =	sand.u32 $0x1FFFFF80, s2  }
0x63: {  	s16 =	simm.s32 $0x7200;
	s14 =	sand.u32 $0x7F, s17;
	s2 =	sadd.s32 s18, s2  }
0x64: {  	[tilespmem:s16], [sflag:$0x1] =	stream.strided.gather [hbm4b:s2+s9], $0x1000, s10, s9, $0x38;
	[tilespmem:$0x14200] =	vst v63  }
0x65: {  	p3 =	slt.s32 s17, $0x1;
	p4 =	sne.s32 s14, $0x0;
	s16 =	sshra.s32 s17, $0x1F  }
0x66: {  	p0 =	por !p3, !p4;
	s22 =	sshrl.u32 s16, $0x19  }
0x67: {  	p0 =	por !p0, !p0;
	s4 =	simm.s32 $0x1;
	s2 =	sadd.s32 s22, s17  }
0x68: {  	s4 =	simm.s32 @!p0 $0x0;
	s2 =	sshrl.u32 s2, $0x7  }
0x69: {  	s2 =	ssub.s32 s2, s4  }
0x6a: {  	(v2sf) =	vpush v2, $0xA;
	s2 =	sshll.u32 s2, $0x7  }
0x6b: {  	[dreg:$0xf] =	wrdreg s2;
	s2 =	sand.u32 $0x1FFFFF80, s2  }
0x6c: {  	s19 =	simm.s32 $0x8200;
	s2 =	sadd.s32 s18, s2  }
0x6d: {  	[tilespmem:s19], [sflag:$0x1] =	stream.strided.gather [hbm4b:s2+s9], $0x1000, s10, s9, $0x38;
	[tilespmem:$0x14200] =	vst v63  }
0x6e: {  	s19 =	spop (v2sf)  }
0x6f: {  	s24 =	sand.u32 $0x7F, s19  }
0x70: {  	s26 =	sshra.s32 s19, $0x1F;
	p5 =	slt.s32 s19, $0x1;
	p6 =	sne.s32 s24, $0x0  }
0x71: {  	s4 =	sshrl.u32 s26, $0x19;
	p0 =	por !p5, !p6  }
0x72: {  	s2 =	sadd.s32 s4, s19;
	s4 =	simm.s32 $0x1;
	p0 =	por !p0, !p0  }
0x73: {  	s2 =	sshrl.u32 s2, $0x7;
	s4 =	simm.s32 @!p0 $0x0  }
0x74: {  	s2 =	ssub.s32 s2, s4  }
0x75: {  	(v2sf) =	vpush v2, $0xB;
	s22 =	sshll.u32 s2, $0x7  }
0x76: {  	s2 =	sand.u32 $0x1FFFFF80, s22  }
0x77: {  	s21 =	simm.s32 $0x9200;
	s2 =	sadd.s32 s18, s2  }
0x78: {  	[tilespmem:s21], [sflag:$0x1] =	stream.strided.gather [hbm4b:s2+s9], $0x1000, s10, s9, $0x38;
	[tilespmem:$0x14200] =	vst v63  }
0x79: {  	s21 =	spop (v2sf)  }
0x7a: {  	s6 =	sand.u32 $0x7F, s21  }
0x7b: {  	s12 =	sshra.s32 s21, $0x1F;
	p1 =	slt.s32 s21, $0x1;
	p2 =	sne.s32 s6, $0x0  }
0x7c: {  	s14 =	sshrl.u32 s12, $0x19;
	p0 =	por !p1, !p2  }
0x7d: {  	s4 =	simm.s32 $0x1;
	s2 =	sadd.s32 s14, s21;
	p0 =	por !p0, !p0  }
0x7e: {  	s2 =	sshrl.u32 s2, $0x7;
	s4 =	simm.s32 @!p0 $0x0  }
0x7f: {  	s2 =	ssub.s32 s2, s4  }
0x80: {  	(v2sf) =	vpush v2, $0xC;
	s24 =	sshll.u32 s2, $0x7  }
0x81: {  	s2 =	sand.u32 $0x1FFFFF80, s24  }
0x82: {  	s23 =	simm.s32 $0xA200;
	s2 =	sadd.s32 s18, s2  }
0x83: {  	[tilespmem:s23], [sflag:$0x1] =	stream.strided.gather [hbm4b:s2+s9], $0x1000, s10, s9, $0x38;
	[tilespmem:$0x14200] =	vst v63  }
0x84: {  	s23 =	spop (v2sf)  }
0x85: {  	s16 =	sand.u32 $0x7F, s23  }
0x86: {  	s26 =	sshra.s32 s23, $0x1F;
	p3 =	slt.s32 s23, $0x1;
	p4 =	sne.s32 s16, $0x0  }
0x87: {  	s4 =	sshrl.u32 s26, $0x19;
	p0 =	por !p3, !p4  }
0x88: {  	s2 =	sadd.s32 s4, s23;
	s4 =	simm.s32 $0x1;
	p0 =	por !p0, !p0  }
0x89: {  	s2 =	sshrl.u32 s2, $0x7;
	s4 =	simm.s32 @!p0 $0x0  }
0x8a: {  	s2 =	ssub.s32 s2, s4  }
0x8b: {  	(v2sf) =	vpush v2, $0xD;
	s26 =	sshll.u32 s2, $0x7  }
0x8c: {  	s2 =	sand.u32 $0x1FFFFF80, s26  }
0x8d: {  	s25 =	simm.s32 $0xB200;
	s2 =	sadd.s32 s18, s2  }
0x8e: {  	[tilespmem:s25], [sflag:$0x1] =	stream.strided.gather [hbm4b:s2+s9], $0x1000, s10, s9, $0x38;
	[tilespmem:$0x14200] =	vst v63  }
0x8f: {  	s25 =	spop (v2sf)  }
0x90: {  	s6 =	sand.u32 $0x7F, s25  }
0x91: {  	s12 =	sshra.s32 s25, $0x1F;
	p6 =	slt.s32 s25, $0x1;
	p5 =	sne.s32 s6, $0x0  }
0x92: {  	s2 =	sshrl.u32 s12, $0x19;
	p0 =	por !p6, !p5  }
0x93: {  	s4 =	simm.s32 $0x1;
	s2 =	sadd.s32 s2, s25;
	p0 =	por !p0, !p0  }
0x94: {  	(v2sf) =	vpush v2, $0xE;
	s2 =	sshrl.u32 s2, $0x7;
	s4 =	simm.s32 @!p0 $0x0  }
0x95: {  	s2 =	ssub.s32 s2, s4  }
0x96: {  	s4 =	sshll.u32 s2, $0x7  }
0x97: {  	s2 =	sand.u32 $0x1FFFFF80, s4  }
0x98: {  	s28 =	simm.s32 $0xC200;
	s2 =	sadd.s32 s18, s2  }
0x99: {  	[tilespmem:s28], [sflag:$0x1] =	stream.strided.gather [hbm4b:s2+s9], $0x1000, s10, s9, $0x38;
	[tilespmem:$0x14200] =	vst v63  }
0x9a: {  	s2 =	spop (v2sf)  }
0x9b: {  	s14 =	sand.u32 $0x7F, s2  }
0x9c: {  	p2 =	slt.s32 s2, $0x1;
	s16 =	sshra.s32 s2, $0x1F;
	p1 =	sne.s32 s14, $0x0  }
0x9d: {  	s6 =	sshrl.u32 s16, $0x19;
	p0 =	por !p2, !p1  }
0x9e: {  	s12 =	simm.s32 $0x1;
	s6 =	sadd.s32 s6, s2;
	p0 =	por !p0, !p0  }
0x9f: {  	s6 =	sshrl.u32 s6, $0x7;
	s12 =	simm.s32 @!p0 $0x0  }
0xa0: {  	(v2sf) =	vpush v2, $0xF;
	s6 =	ssub.s32 s6, s12  }
0xa1: {  	s6 =	sshll.u32 s6, $0x7  }
0xa2: {  	s28 =	sand.u32 $0x1FFFFF80, s6  }
0xa3: {  	s29 =	simm.s32 $0xD200;
	s12 =	sadd.s32 s18, s28;
	s28 =	spop (v2sf)  }
0xa4: {  	[tilespmem:s29], [sflag:$0x1] =	stream.strided.gather [hbm4b:s12+s9], $0x1000, s10, s9, $0x38;
	[tilespmem:$0x14200] =	vst v63  }
0xa5: {  	s29 =	sand.u32 $0x7F, s28  }
0xa6: {  	p4 =	slt.s32 s28, $0x1;
	s14 =	sshra.s32 s28, $0x1F;
	p3 =	sne.s32 s29, $0x0  }
0xa7: {  	s12 =	sshrl.u32 s14, $0x19;
	p0 =	por !p4, !p3  }
0xa8: {  	s14 =	simm.s32 $0x1;
	s12 =	sadd.s32 s12, s28;
	p0 =	por !p0, !p0  }
0xa9: {  	s12 =	sshrl.u32 s12, $0x7;
	s14 =	simm.s32 @!p0 $0x0  }
0xaa: {  	s12 =	ssub.s32 s12, s14  }
0xab: {  	s12 =	sshll.u32 s12, $0x7  }
0xac: {  	s16 =	sand.u32 $0x1FFFFF80, s12  }
0xad: {  	s29 =	simm.s32 $0xE200;
	s14 =	sadd.s32 s18, s16  }
0xae: {  	[tilespmem:s29], [sflag:$0x1] =	stream.strided.gather [hbm4b:s14+s9], $0x1000, s10, s9, $0x38;
	[tilespmem:$0x14200] =	vst v63  }
0xaf: {  	s29 =	spop (v2sf)  }
0xb0: {  	s16 =	sand.u32 $0x7F, s29  }
0xb1: {  	p6 =	slt.s32 s29, $0x1;
	p5 =	sne.s32 s16, $0x0;
	s16 =	sshra.s32 s29, $0x1F  }
0xb2: {  	s14 =	sshrl.u32 s16, $0x19;
	p0 =	por !p6, !p5  }
0xb3: {  	s16 =	simm.s32 $0x1;
	s14 =	sadd.s32 s14, s29;
	p0 =	por !p0, !p0  }
0xb4: {  	s14 =	sshrl.u32 s14, $0x7;
	s16 =	simm.s32 @!p0 $0x0  }
0xb5: {  	s14 =	ssub.s32 s14, s16  }
0xb6: {  	s14 =	sshll.u32 s14, $0x7  }
0xb7: {  	s1 =	ssub.s32 s1, s20;
	s20 =	sand.u32 $0x1FFFFF80, s14  }
0xb8: {  	v2 =	vadd.s32 s1, v0;
	s16 =	sadd.s32 s18, s20;
	s20 =	simm.s32 $0xF200  }
0xb9: {  	v3 =	vadd.s32 s1, v1;
	[tilespmem:s20], [sflag:$0x1] =	stream.strided.gather [hbm4b:s16+s9], $0x1000, s10, s9, $0x38;
	[tilespmem:$0x14200] =	vst v63  }
0xba: {  	_ =	swait.ge [sflag:s8], $0x1000  }
0xbb: {  	[sflag:s8] =	ssyncset.done $0x0  }
0xbc: {  	s16 =	simm.s32 $0x200;
	[sflag:s8] =	ssyncadd.s32 $0xFFFFF000  }
0xbd: {  	v2 =	vld.idx.msk [tilespmem:v2+s16+$0x0], $0xffff  }
0xbe: {  	v3 =	vld.idx.msk [tilespmem:v3+s16+$0x0], $0xffff;
	_ =	sdelay $0x1  }
0xbf: {  	s20 =	rddreg [dreg:$0x8]  }
0xc0: {  	s0 =	ssub.s32 s0, s20  }
0xc1: {  	v4 =	vadd.s32 s0, v1;
	[tilespmem:s30+$0xFFFFFF00] =	vst v2  }
0xc2: {  	v2 =	vadd.s32 s0, v0;
	[tilespmem:s30+$0xFFFFFF10] =	vst v3  }
0xc3: {  	_ =	swait.ge [sflag:s8], $0x1000  }
0xc4: {  	[sflag:s8] =	ssyncset.done $0x0  }
0xc5: {  	s20 =	simm.s32 $0x1200;
	[sflag:s8] =	ssyncadd.s32 $0xFFFFF000  }
0xc6: {  	s1 =	simm.s32 $0x1200;
	v3 =	vld.idx.msk [tilespmem:v4+s20+$0x0], $0xffff  }
0xc7: {  	v2 =	vld.idx.msk [tilespmem:v2+s1+$0x0], $0xffff;
	_ =	sdelay $0x1  }
0xc8: {  	s1 =	rddreg [dreg:$0x9]  }
0xc9: {  	s0 =	ssub.s32 s3, s1  }
0xca: {  	v50 =	vadd.s32 s0, v1;
	[tilespmem:s30+$0xFFFFFF30] =	vst v3  }
0xcb: {  	[tilespmem:s30+$0xFFFFFF20] =	vst v2;
	v2 =	vadd.s32 s0, v0  }
0xcc: {  	_ =	swait.ge [sflag:s8], $0x1000  }
0xcd: {  	[sflag:s8] =	ssyncset.done $0x0  }
0xce: {  	s20 =	simm.s32 $0x2200;
	[sflag:s8] =	ssyncadd.s32 $0xFFFFF000  }
0xcf: {  	v3 =	vld.idx.msk [tilespmem:v50+s20+$0x0], $0xffff  }
0xd0: {  	v2 =	vld.idx.msk [tilespmem:v2+s20+$0x0], $0xffff;
	_ =	sdelay $0x1  }
0xd1: {  	s1 =	rddreg [dreg:$0xa]  }
0xd2: {  	s0 =	ssub.s32 s5, s1  }
0xd3: {  	v51 =	vadd.s32 s0, v1;
	[tilespmem:s30+$0xFFFFFF50] =	vst v3  }
0xd4: {  	[tilespmem:s30+$0xFFFFFF40] =	vst v2;
	v2 =	vadd.s32 s0, v0  }
0xd5: {  	_ =	swait.ge [sflag:s8], $0x1000  }
0xd6: {  	[sflag:s8] =	ssyncset.done $0x0  }
0xd7: {  	s3 =	simm.s32 $0x3200;
	[sflag:s8] =	ssyncadd.s32 $0xFFFFF000  }
0xd8: {  	v3 =	vld.idx.msk [tilespmem:v51+s3+$0x0], $0xffff  }
0xd9: {  	v2 =	vld.idx.msk [tilespmem:v2+s3+$0x0], $0xffff;
	_ =	sdelay $0x1  }
0xda: {  	s20 =	rddreg [dreg:$0xb]  }
0xdb: {  	s0 =	ssub.s32 s7, s20  }
0xdc: {  	v52 =	vadd.s32 s0, v1;
	[tilespmem:s30+$0xFFFFFF70] =	vst v3  }
0xdd: {  	[tilespmem:s30+$0xFFFFFF60] =	vst v2;
	v2 =	vadd.s32 s0, v0  }
0xde: {  	_ =	swait.ge [sflag:s8], $0x1000  }
0xdf: {  	[sflag:s8] =	ssyncset.done $0x0  }
0xe0: {  	s5 =	simm.s32 $0x4200;
	[sflag:s8] =	ssyncadd.s32 $0xFFFFF000  }
0xe1: {  	v3 =	vld.idx.msk [tilespmem:v52+s5+$0x0], $0xffff  }
0xe2: {  	v2 =	vld.idx.msk [tilespmem:v2+s5+$0x0], $0xffff;
	_ =	sdelay $0x1  }
0xe3: {  	s5 =	rddreg [dreg:$0xc]  }
0xe4: {  	s0 =	ssub.s32 s11, s5  }
0xe5: {  	v53 =	vadd.s32 s0, v1;
	[tilespmem:s30+$0xFFFFFF90] =	vst v3  }
0xe6: {  	[tilespmem:s30+$0xFFFFFF80] =	vst v2;
	v2 =	vadd.s32 s0, v0  }
0xe7: {  	_ =	swait.ge [sflag:s8], $0x1000  }
0xe8: {  	[sflag:s8] =	ssyncset.done $0x0  }
0xe9: {  	s3 =	simm.s32 $0x5200;
	[sflag:s8] =	ssyncadd.s32 $0xFFFFF000  }
0xea: {  	v3 =	vld.idx.msk [tilespmem:v53+s3+$0x0], $0xffff  }
0xeb: {  	v2 =	vld.idx.msk [tilespmem:v2+s3+$0x0], $0xffff;
	_ =	sdelay $0x1  }
0xec: {  	s20 =	rddreg [dreg:$0xd]  }
0xed: {  	s0 =	ssub.s32 s13, s20  }
0xee: {  	v54 =	vadd.s32 s0, v1;
	[tilespmem:s30+$0xFFFFFFB0] =	vst v3  }
0xef: {  	[tilespmem:s30+$0xFFFFFFA0] =	vst v2;
	v2 =	vadd.s32 s0, v0  }
0xf0: {  	_ =	swait.ge [sflag:s8], $0x1000  }
0xf1: {  	[sflag:s8] =	ssyncset.done $0x0  }
0xf2: {  	s11 =	simm.s32 $0x6200;
	[sflag:s8] =	ssyncadd.s32 $0xFFFFF000  }
0xf3: {  	v3 =	vld.idx.msk [tilespmem:v54+s11+$0x0], $0xffff  }
0xf4: {  	v2 =	vld.idx.msk [tilespmem:v2+s11+$0x0], $0xffff;
	_ =	sdelay $0x1  }
0xf5: {  	s1 =	rddreg [dreg:$0xe]  }
0xf6: {  	s0 =	ssub.s32 s15, s1  }
0xf7: {  	v55 =	vadd.s32 s0, v1;
	[tilespmem:s30+$0xFFFFFFD0] =	vst v3  }
0xf8: {  	[tilespmem:s30+$0xFFFFFFC0] =	vst v2;
	v2 =	vadd.s32 s0, v0  }
0xf9: {  	_ =	swait.ge [sflag:s8], $0x1000  }
0xfa: {  	[sflag:s8] =	ssyncset.done $0x0  }
0xfb: {  	s7 =	simm.s32 $0x7200;
	[sflag:s8] =	ssyncadd.s32 $0xFFFFF000  }
0xfc: {  	v3 =	vld.idx.msk [tilespmem:v55+s7+$0x0], $0xffff  }
0xfd: {  	v2 =	vld.idx.msk [tilespmem:v2+s7+$0x0], $0xffff;
	_ =	sdelay $0x1  }
0xfe: {  	s11 =	rddreg [dreg:$0xf]  }
0xff: {  	s0 =	ssub.s32 s17, s11  }
0x100: {  	v56 =	vadd.s32 s0, v1;
	[tilespmem:s30+$0xFFFFFFF0] =	vst v3  }
0x101: {  	[tilespmem:s30+$0xFFFFFFE0] =	vst v2;
	v2 =	vadd.s32 s0, v0  }
0x102: {  	_ =	swait.ge [sflag:s8], $0x1000  }
0x103: {  	[sflag:s8] =	ssyncset.done $0x0  }
0x104: {  	s7 =	simm.s32 $0x8200;
	[sflag:s8] =	ssyncadd.s32 $0xFFFFF000  }
0x105: {  	v3 =	vld.idx.msk [tilespmem:v56+s7+$0x0], $0xffff  }
0x106: {  	v2 =	vld.idx.msk [tilespmem:v2+s7+$0x0], $0xffff;
	_ =	sdelay $0x2  }
0x107: {  	s13 =	ssub.s32 s19, s22  }
0x108: {  	v57 =	vadd.s32 s13, v1;
	[tilespmem:s30+$0x10] =	vst v3  }
0x109: {  	[tilespmem:s30+$0x0] =	vst v2;
	v2 =	vadd.s32 s13, v0  }
0x10a: {  	_ =	swait.ge [sflag:s8], $0x1000  }
0x10b: {  	[sflag:s8] =	ssyncset.done $0x0  }
0x10c: {  	s5 =	simm.s32 $0x9200;
	[sflag:s8] =	ssyncadd.s32 $0xFFFFF000  }
0x10d: {  	v3 =	vld.idx.msk [tilespmem:v57+s5+$0x0], $0xffff  }
0x10e: {  	v2 =	vld.idx.msk [tilespmem:v2+s5+$0x0], $0xffff;
	_ =	sdelay $0x2  }
0x10f: {  	s19 =	ssub.s32 s21, s24  }
0x110: {  	v58 =	vadd.s32 s19, v1;
	[tilespmem:s30+$0x30] =	vst v3  }
0x111: {  	[tilespmem:s30+$0x20] =	vst v2;
	v2 =	vadd.s32 s19, v0  }
0x112: {  	_ =	swait.ge [sflag:s8], $0x1000  }
0x113: {  	[sflag:s8] =	ssyncset.done $0x0  }
0x114: {  	s17 =	simm.s32 $0xA200;
	[sflag:s8] =	ssyncadd.s32 $0xFFFFF000  }
0x115: {  	v3 =	vld.idx.msk [tilespmem:v58+s17+$0x0], $0xffff  }
0x116: {  	v2 =	vld.idx.msk [tilespmem:v2+s17+$0x0], $0xffff;
	_ =	sdelay $0x2  }
0x117: {  	s20 =	ssub.s32 s23, s26  }
0x118: {  	v59 =	vadd.s32 s20, v1;
	[tilespmem:s30+$0x50] =	vst v3  }
0x119: {  	[tilespmem:s30+$0x40] =	vst v2;
	v2 =	vadd.s32 s20, v0  }
0x11a: {  	_ =	swait.ge [sflag:s8], $0x1000  }
0x11b: {  	[sflag:s8] =	ssyncset.done $0x0  }
0x11c: {  	s15 =	simm.s32 $0xB200;
	[sflag:s8] =	ssyncadd.s32 $0xFFFFF000  }
0x11d: {  	v3 =	vld.idx.msk [tilespmem:v59+s15+$0x0], $0xffff  }
0x11e: {  	v2 =	vld.idx.msk [tilespmem:v2+s15+$0x0], $0xffff;
	_ =	sdelay $0x2  }
0x11f: {  	s22 =	ssub.s32 s25, s4  }
0x120: {  	v60 =	vadd.s32 s22, v1;
	[tilespmem:s30+$0x70] =	vst v3  }
0x121: {  	[tilespmem:s30+$0x60] =	vst v2;
	v2 =	vadd.s32 s22, v0  }
0x122: {  	_ =	swait.ge [sflag:s8], $0x1000  }
0x123: {  	[sflag:s8] =	ssyncset.done $0x0  }
0x124: {  	s21 =	simm.s32 $0xC200;
	[sflag:s8] =	ssyncadd.s32 $0xFFFFF000  }
0x125: {  	v3 =	vld.idx.msk [tilespmem:v60+s21+$0x0], $0xffff  }
0x126: {  	v2 =	vld.idx.msk [tilespmem:v2+s21+$0x0], $0xffff;
	_ =	sdelay $0x2  }
0x127: {  	s23 =	ssub.s32 s2, s6  }
0x128: {  	v61 =	vadd.s32 s23, v1;
	[tilespmem:s30+$0x90] =	vst v3  }
0x129: {  	[tilespmem:s30+$0x80] =	vst v2;
	v2 =	vadd.s32 s23, v0  }
0x12a: {  	_ =	swait.ge [sflag:s8], $0x1000  }
0x12b: {  	[sflag:s8] =	ssyncset.done $0x0  }
0x12c: {  	s25 =	simm.s32 $0xD200;
	[sflag:s8] =	ssyncadd.s32 $0xFFFFF000  }
0x12d: {  	v3 =	vld.idx.msk [tilespmem:v61+s25+$0x0], $0xffff  }
0x12e: {  	v2 =	vld.idx.msk [tilespmem:v2+s25+$0x0], $0xffff;
	_ =	sdelay $0x2  }
0x12f: {  	s26 =	ssub.s32 s28, s12  }
0x130: {  	v62 =	vadd.s32 s26, v1;
	[tilespmem:s30+$0xB0] =	vst v3  }
0x131: {  	[tilespmem:s30+$0xA0] =	vst v2;
	v2 =	vadd.s32 s26, v0  }
0x132: {  	_ =	swait.ge [sflag:s8], $0x1000  }
0x133: {  	[sflag:s8] =	ssyncset.done $0x0  }
0x134: {  	s24 =	simm.s32 $0xE200;
	[sflag:s8] =	ssyncadd.s32 $0xFFFFF000  }
0x135: {  	v3 =	vld.idx.msk [tilespmem:v62+s24+$0x0], $0xffff  }
0x136: {  	v2 =	vld.idx.msk [tilespmem:v2+s24+$0x0], $0xffff;
	_ =	sdelay $0x2  }
0x137: {  	s29 =	ssub.s32 s29, s14  }
0x138: {  	v63 =	vadd.s32 s29, v1;
	[tilespmem:s30+$0xD0] =	vst v3  }
0x139: {  	[tilespmem:s30+$0xC0] =	vst v2;
	v2 =	vadd.s32 s29, v0  }
0x13a: {  	_ =	swait.ge [sflag:s8], $0x1000  }
0x13b: {  	[sflag:s8] =	ssyncset.done $0x0  }
0x13c: {  	s28 =	simm.s32 $0xF200;
	[sflag:s8] =	ssyncadd.s32 $0xFFFFF000  }
0x13d: {  	v3 =	vld.idx.msk [tilespmem:v63+s28+$0x0], $0xffff  }
0x13e: {  	p0 =	sne.s32 s31, $0x7C0;
	v2 =	vld.idx.msk [tilespmem:v2+s28+$0x0], $0xffff  }
.Ltmp0:
0x13f: {  	_ = 	snop;
	(pc) =	sbr.rel @p0 .LBB2_2-.Ltmp0, $3  }
0x140: {  	_ =	sdelay $0x1  }
0x141: {  	[tilespmem:s30+$0xF0] =	vst v3  }
0x142: {  	s31 =	sadd.s32 $0x40, s31;
	s4 =	simm.s32 $0x1200;
	[tilespmem:s30+$0xE0] =	vst v2;
	s30 =	sadd.s32 $0x200, s30  }
0x143: {  	s5 =	simm.s32 $0x0;
	s0 =	rddreg [dreg:$0x5];
	s1 =	simm.s32 $0x10200  }
0x144: {  	[hbm4b:s0+s5] =	stream.linear.scatter [tilespmem:s1], [sflag:$0x2], $0x4000, $0x38;
	[tilespmem:$0x14200] =	vst v63  }
0x145: {  	s1 =	simm.s32 $0x2  }
0x146: {  	_ =	swait.ge [sflag:s1], $0x4000  }
0x147: {  	s2 =	rddreg [dreg:$0x7]  }
0x148: {  	s31 =	rddreg [dreg:$0x6];
	s2 =	sadd.s32 $0x1, s2  }
0x149: {  	p0 =	sne.s32 s2, s31  }
.Ltmp1:
0x14a: {  	_ = 	snop;
	(pc) =	sbr.rel @p0 .LBB2_1-.Ltmp1, $3  }
0x14b: {  	_ =	sdelay $0x1  }
0x14c: {  	[sflag:s1] =	ssyncset.done $0x0  }
0x14d: {  	[sflag:s1] =	ssyncadd.s32 $0xFFFFC000  }
0x14e: {  	_ =	sfence.sel $0x180000  }
0x14f: {  	[bflag:$0x0] =	sbarrier.arrive $0xFFFF  }
0x150: {  	_ =	strace $0x90000047  }
0x151: {  	s0 =	stileid.u32;
	[bflag:$0x2] =	sbarrier.arrive $0xFFFF  }
0x152: {  	p0 =	sne.s32 s0, $0x0;
	s0 =	rddreg [dreg:$0x3]  }
0x153: {  	s0 =	sadd.s32 @!p0 $0x100000, s0  }
0x154: {  	[sflag:s0] =	ssyncadd.tile.s32 @!p0 $0x1;
	_ =	shalt  }
.Lfunc_end2:
_tile_overlayer_lowered:
.L_overlay_start_2:
0x155: {  	(tag) =	ssettag $0x2  }
0x156: {  	s0 =	rddreg [dreg:$0x0];
	s2 =	stileid.u32  }
0x157: {  	s1 =	rddreg [dreg:$0x1];
	p0 =	sne.s32 s2, $0x0  }
0x158: {  	s3 =	rddreg [dreg:$0x2];
	[bflag:$0x3] =	sbarrier.arrive $0xFFFF;
	s2 =	simm.s32 @!p0 $0x1C02  }
0x159: {  	[timem:s3], [sflag:s2] =	dma.local @!p0 [hbm:s0], s1  }
0x15a: {  	s0 =	simm.s32 @!p0 $0x2  }
0x15b: {  	_ =	swait.ge @!p0 [sflag:s0], s1  }
0x15c: {  	s1 =	ssub.s32 @!p0 $0x0, s1;
	[sflag:s0] =	ssyncset.done @!p0 $0x0  }
0x15d: {  	[sflag:s0] =	ssyncadd.s32 @!p0 s1  }
0x15e: {  	[bflag:$0x3] =	sbarrier.arrive $0xFFFF  }
0x15f: {  	_ =	shalt  }

</sc_bundles>
